<compile_context>
chip_gen: v7x
topology: tpu7x:2x2x1
jax: 0.10.2.dev20260603
libtpu: 0.0.44.dev20260713+nightly
codegen_flags: <defaults>
</compile_context>

<pallas_src>
import functools

import jax
import jax.numpy as jnp
from jax import lax
from jax.experimental import pallas as pl
from jax.experimental.pallas import tpu as pltpu, tpu_sc as plsc

N_CLASSES = 4
C_Z = 128
EPS = 1e-5

NC, NS = 2, 16
NW = NC * NS
CHUNK = 128
NBUF = 4
REP = 4096
L = 16


def _table_rep_block(embed_ref, gamma_ref, beta_ref, w_ref, out_ref):
    e = embed_ref[:, :]
    mean = jnp.mean(e, axis=1, keepdims=True)
    var = jnp.mean(jnp.square(e - mean), axis=1, keepdims=True)
    norm = (e - mean) * lax.rsqrt(var + EPS) * gamma_ref[:, :] + beta_ref[:, :]
    table4 = lax.dot_general(norm, w_ref[:, :], (((1,), (1,)), ((), ())),
                             preferred_element_type=jnp.float32)
    out_ref[:, :, :] = jnp.broadcast_to(table4[None, :, :],
                                        (REP, N_CLASSES, C_Z))


def _make_sc_expand(total):
    rows_per_w = total // NW
    n_chunks = rows_per_w // CHUNK
    n_super = n_chunks // NBUF
    mesh = plsc.VectorSubcoreMesh(core_axis_name="c", subcore_axis_name="s")

    @functools.partial(
        pl.kernel,
        mesh=mesh,
        out_type=jax.ShapeDtypeStruct((total, C_Z), jnp.float32),
        scratch_types=[
            pltpu.VMEM((n_chunks, CHUNK), jnp.int32),
            pltpu.VMEM((NBUF, CHUNK, C_Z), jnp.float32),
            pltpu.SemaphoreType.DMA,
            pltpu.SemaphoreType.DMA,
        ],
    )
    def sc_expand(table_hbm, ids_hbm, out_hbm, idx_all, bufs, gsem, ssem):
        wid = lax.axis_index("s") * NC + lax.axis_index("c")
        base = wid * rows_per_w
        pltpu.sync_copy(ids_hbm.at[wid], idx_all)

        lanes = lax.iota(jnp.int32, L) * N_CLASSES
        phase = wid * (REP // NW)

        def spread(v, carry):
            row = v // (CHUNK // L)
            col = (v % (CHUNK // L)) * L
            local = row * CHUNK + col
            off = ((local + phase) % REP) * N_CLASSES
            sl = (row, pl.ds(col, L))
            idx_all[sl] = idx_all[sl] + lanes + off
            return carry

        lax.fori_loop(0, n_chunks * (CHUNK // L), spread, 0)

        def body(sc, carry):
            off0 = sc * (NBUF * CHUNK)

            @pl.when(sc > 0)
            def _():
                for b in range(NBUF):
                    pltpu.make_async_copy(
                        out_hbm.at[pl.ds(0, CHUNK)], bufs.at[b], ssem
                    ).wait()

            gathers = []
            for b in range(NBUF):
                gathers.append(pltpu.async_copy(
                    table_hbm.at[idx_all.at[sc * NBUF + b]], bufs.at[b], gsem))
            for b in range(NBUF):
                gathers[b].wait()
                pltpu.async_copy(
                    bufs.at[b],
                    out_hbm.at[pl.ds(base + off0 + b * CHUNK, CHUNK)],
                    ssem)
            return carry

        lax.fori_loop(0, n_super, body, 0)
        for b in range(NBUF):
            pltpu.make_async_copy(
                out_hbm.at[pl.ds(0, CHUNK)], bufs.at[b], ssem).wait()

    return sc_expand


@jax.jit
def kernel(ss_matrix, embed_table, ln_gamma, ln_beta, W):
    b, n, _ = ss_matrix.shape
    total = b * n * n
    table_rep = pl.pallas_call(
        _table_rep_block,
        out_shape=jax.ShapeDtypeStruct((REP, N_CLASSES, C_Z), jnp.float32),
    )(embed_table, ln_gamma.reshape(1, C_Z), ln_beta.reshape(1, C_Z), W)
    rows_per_w = total // NW
    ids = ss_matrix.reshape(NW, rows_per_w // CHUNK, CHUNK)
    out = _make_sc_expand(total)(table_rep.reshape(REP * N_CLASSES, C_Z), ids)
    return out.reshape(b, n, n, C_Z)

# --- scband reference (transcript-rebuilt; emitter-appended) ---
"""Pipeline reference for scband-secondary-structure-constraint-encoder-45397804319133 (READ-ONLY COPY).

The authoritative reference and input builder live on the scoring server;
editing this copy changes nothing except your own understanding.
"""

import jax, jax.numpy as jnp
import numpy as np

C_Z = 128
N_CLASSES = 4
B, N = 2, 512
EPS = 1e-5


def setup_inputs(seed: int = 0) -> dict:
    key = jax.random.key(seed)
    k1, k2, k3 = jax.random.split(key, 3)
    ss_matrix = jax.random.randint(k1, (B, N, N), 0, N_CLASSES, dtype=jnp.int32)
    embed_table = jax.random.normal(k2, (N_CLASSES, C_Z), dtype=jnp.float32) * 0.02
    ln_gamma = jnp.ones((C_Z,), dtype=jnp.float32)
    ln_beta = jnp.zeros((C_Z,), dtype=jnp.float32)
    # torch code zero-inits proj weight; use small random values so the
    # reference output is nontrivial while keeping the same math.
    W = jax.random.normal(k3, (C_Z, C_Z), dtype=jnp.float32) * 0.02
    return {"ss_matrix": ss_matrix, "embed_table": embed_table,
            "ln_gamma": ln_gamma, "ln_beta": ln_beta, "W": W}


def reference(ss_matrix, embed_table, ln_gamma, ln_beta, W):
    # nn.Embedding: gather rows of the table by class id -> [B, N, N, c_z]
    z = jnp.take(embed_table, ss_matrix, axis=0)
    # LayerNorm over last dim (biased variance, eps=1e-5, affine)
    mean = jnp.mean(z, axis=-1, keepdims=True)
    var = jnp.mean(jnp.square(z - mean), axis=-1, keepdims=True)
    z = (z - mean) / jnp.sqrt(var + EPS) * ln_gamma + ln_beta
    # LinearNoBias: y = z @ W.T
    z = jnp.einsum('bijc,dc->bijd', z, W)
    return z

if __name__ == "__main__":
    import jax
    _d = setup_inputs()
    print(jax.jit(kernel)(*tuple(_d.values())))

</pallas_src>

<mosaic_0001>
#map = affine_map<(d0, d1) -> (0, 0)>
#map1 = affine_map<(d0, d1) -> (0, 0, 0)>
module attributes {stable_mosaic.version = 14 : i64} {
  func.func @sc_expand(%arg0: i32, %arg1: i32, %arg2: memref<16384x128xf32, #tpu.memory_space<hbm>>, %arg3: memref<32x128x128xi32, #tpu.memory_space<hbm>>, %arg4: memref<524288x128xf32, #tpu.memory_space<hbm>>, %arg5: memref<128x128xi32, #tpu.memory_space<vmem>>, %arg6: memref<4x128x128xf32, #tpu.memory_space<vmem>>, %arg7: memref<!tpu.dma_semaphore, #tpu.memory_space<semaphore_mem>>, %arg8: memref<!tpu.dma_semaphore, #tpu.memory_space<semaphore_mem>>) attributes {dimension_semantics = [#tpu.dimension_semantics<core_parallel>, #tpu.dimension_semantics<subcore_parallel>], iteration_bounds = array<i64: 2, 16>, scalar_prefetch = 0 : i64, scratch_operands = 4 : i64, tpu.core_type = #tpu.core_type<sc_vector_subcore>, window_params = [{transform_indices = #map}, {transform_indices = #map1}, {transform_indices = #map}]} {
    %mul3A = arith.constant 2 : i32
    %mul3A_0 = arith.muli %arg1, %mul3A : i32
    %add3A = arith.addi %mul3A_0, %arg0 : i32
    %mul3A_1 = arith.constant 16384 : i32
    %mul3A_2 = arith.muli %add3A, %mul3A_1 : i32
    "tpu.region"() ({
      %run_scoped3A = tpu.sem_alloc : memref<!tpu.dma_semaphore, #tpu.memory_space<semaphore_mem>>
      %dma_start3A = arith.constant 0 : i32
      %dma_start3A_78 = arith.constant 0 : i32
      %dma_start3A_79 = tpu.memref_slice %arg3[%add3A, %dma_start3A, %dma_start3A_78] : memref<32x128x128xi32, #tpu.memory_space<hbm>> -> memref<1x128x128xi32, #tpu.memory_space<hbm>>
      %dma_start3A_80 = tpu.memref_squeeze %dma_start3A_79 : memref<1x128x128xi32, #tpu.memory_space<hbm>> -> memref<128x128xi32, #tpu.memory_space<hbm>>
      %dma_start3A_81 = arith.constant 0 : i32
      %dma_start3A_82 = arith.constant 0 : i32
      %dma_start3A_83 = tpu.memref_slice %arg3[%add3A, %dma_start3A_81, %dma_start3A_82] : memref<32x128x128xi32, #tpu.memory_space<hbm>> -> memref<1x128x128xi32, #tpu.memory_space<hbm>>
      %dma_start3A_84 = tpu.memref_squeeze %dma_start3A_83 : memref<1x128x128xi32, #tpu.memory_space<hbm>> -> memref<128x128xi32, #tpu.memory_space<hbm>>
      tpu.enqueue_dma source(%dma_start3A_84 : memref<128x128xi32, #tpu.memory_space<hbm>>) target(%arg5 : memref<128x128xi32, #tpu.memory_space<vmem>>) target_semaphore(%run_scoped3A : memref<!tpu.dma_semaphore, #tpu.memory_space<semaphore_mem>>)
      %dma_wait3A_85 = arith.constant 0 : i32
      %dma_wait3A_86 = arith.constant 0 : i32
      %dma_wait3A_87 = tpu.memref_slice %arg3[%add3A, %dma_wait3A_85, %dma_wait3A_86] : memref<32x128x128xi32, #tpu.memory_space<hbm>> -> memref<1x128x128xi32, #tpu.memory_space<hbm>>
      %dma_wait3A_88 = tpu.memref_squeeze %dma_wait3A_87 : memref<1x128x128xi32, #tpu.memory_space<hbm>> -> memref<128x128xi32, #tpu.memory_space<hbm>>
      %dma_wait3A_89 = arith.constant 0 : i32
      %dma_wait3A_90 = arith.constant 0 : i32
      %dma_wait3A_91 = tpu.memref_slice %arg3[%add3A, %dma_wait3A_89, %dma_wait3A_90] : memref<32x128x128xi32, #tpu.memory_space<hbm>> -> memref<1x128x128xi32, #tpu.memory_space<hbm>>
      %dma_wait3A_92 = tpu.memref_squeeze %dma_wait3A_91 : memref<1x128x128xi32, #tpu.memory_space<hbm>> -> memref<128x128xi32, #tpu.memory_space<hbm>>
      tpu.wait_dma2 semaphore(%run_scoped3A : memref<!tpu.dma_semaphore, #tpu.memory_space<semaphore_mem>>) src(%dma_wait3A_92 : memref<128x128xi32, #tpu.memory_space<hbm>>) dst(%arg5 : memref<128x128xi32, #tpu.memory_space<vmem>>)
      tpu.yield
    }) : () -> ()
    %iota3A = tpu.iota {dimensions = array<i32: 0>} : vector<16xi32>
    %mul3A_3 = arith.constant 4 : i32
    %mul3A_4 = vector.broadcast %mul3A_3 : i32 to vector<16xi32>
    %mul3A_5 = arith.muli %iota3A, %mul3A_4 : vector<16xi32>
    %mul3A_6 = arith.constant 128 : i32
    %mul3A_7 = arith.muli %add3A, %mul3A_6 : i32
    %scan3A = arith.constant 0 : i32
    %scan3A_8 = arith.constant 0 : i32
    %scan3A_9 = arith.constant 1024 : i32
    %scan3A_10 = arith.addi %scan3A_8, %scan3A_9 : i32
    %scan3A_11 = arith.constant 1 : i32
    scf.for %scan3A_78 = %scan3A_8 to %scan3A_10 step %scan3A_11  : i32 {
      %jit3A = arith.constant 8 : i32
      %div3A = arith.divsi %scan3A_78, %jit3A : i32
      %sign3A = arith.constant 0 : i32
      %sign3A_79 = arith.cmpi sgt, %scan3A_78, %sign3A : i32
      %sign3A_80 = arith.extui %sign3A_79 : i1 to i32
      %sign3A_81 = arith.constant 0 : i32
      %sign3A_82 = arith.cmpi slt, %scan3A_78, %sign3A_81 : i32
      %sign3A_83 = arith.extui %sign3A_82 : i1 to i32
      %sign3A_84 = arith.subi %sign3A_80, %sign3A_83 : i32
      %sign3A_85 = arith.constant 0 : i32
      %sign3A_86 = arith.cmpi sgt, %jit3A, %sign3A_85 : i32
      %sign3A_87 = arith.extui %sign3A_86 : i1 to i32
      %sign3A_88 = arith.constant 0 : i32
      %sign3A_89 = arith.cmpi slt, %jit3A, %sign3A_88 : i32
      %sign3A_90 = arith.extui %sign3A_89 : i1 to i32
      %sign3A_91 = arith.subi %sign3A_87, %sign3A_90 : i32
      %ne3A = arith.cmpi ne, %sign3A_84, %sign3A_91 : i32
      %rem3A = arith.remsi %scan3A_78, %jit3A : i32
      %ne3A_92 = arith.constant 0 : i32
      %ne3A_93 = arith.cmpi ne, %rem3A, %ne3A_92 : i32
      %and3A = arith.andi %ne3A, %ne3A_93 : i1
      %sub3A = arith.constant 1 : i32
      %sub3A_94 = arith.subi %div3A, %sub3A : i32
      %select_n3A = arith.select %and3A, %sub3A_94, %div3A : i32
      %jit3A_95 = arith.constant 8 : i32
      %eq3A = arith.constant 0 : i32
      %eq3A_96 = arith.cmpi eq, %jit3A_95, %eq3A : i32
      %jit3A_97 = arith.constant 1 : i32
      %select_n3A_98 = arith.select %eq3A_96, %jit3A_97, %jit3A_95 : i32
      %rem3A_99 = arith.remsi %scan3A_78, %select_n3A_98 : i32
      %ne3A_100 = arith.constant 0 : i32
      %ne3A_101 = arith.cmpi ne, %rem3A_99, %ne3A_100 : i32
      %lt3A = arith.constant 0 : i32
      %lt3A_102 = arith.cmpi slt, %rem3A_99, %lt3A : i32
      %lt3A_103 = arith.constant 0 : i32
      %lt3A_104 = arith.cmpi slt, %select_n3A_98, %lt3A_103 : i32
      %ne3A_105 = arith.xori %lt3A_102, %lt3A_104 : i1
      %and3A_106 = arith.andi %ne3A_105, %ne3A_101 : i1
      %add3A_107 = arith.addi %rem3A_99, %select_n3A_98 : i32
      %select_n3A_108 = arith.select %and3A_106, %add3A_107, %rem3A_99 : i32
      %mul3A_109 = arith.constant 16 : i32
      %mul3A_110 = arith.muli %select_n3A_108, %mul3A_109 : i32
      %mul3A_111 = arith.constant 128 : i32
      %mul3A_112 = arith.muli %select_n3A, %mul3A_111 : i32
      %add3A_113 = arith.addi %mul3A_112, %mul3A_110 : i32
      %add3A_114 = arith.addi %add3A_113, %mul3A_7 : i32
      %jit3A_115 = arith.constant 4096 : i32
      %eq3A_116 = arith.constant 0 : i32
      %eq3A_117 = arith.cmpi eq, %jit3A_115, %eq3A_116 : i32
      %jit3A_118 = arith.constant 1 : i32
      %select_n3A_119 = arith.select %eq3A_117, %jit3A_118, %jit3A_115 : i32
      %rem3A_120 = arith.remsi %add3A_114, %select_n3A_119 : i32
      %ne3A_121 = arith.constant 0 : i32
      %ne3A_122 = arith.cmpi ne, %rem3A_120, %ne3A_121 : i32
      %lt3A_123 = arith.constant 0 : i32
      %lt3A_124 = arith.cmpi slt, %rem3A_120, %lt3A_123 : i32
      %lt3A_125 = arith.constant 0 : i32
      %lt3A_126 = arith.cmpi slt, %select_n3A_119, %lt3A_125 : i32
      %ne3A_127 = arith.xori %lt3A_124, %lt3A_126 : i1
      %and3A_128 = arith.andi %ne3A_127, %ne3A_122 : i1
      %add3A_129 = arith.addi %rem3A_120, %select_n3A_119 : i32
      %select_n3A_130 = arith.select %and3A_128, %add3A_129, %rem3A_120 : i32
      %mul3A_131 = arith.constant 4 : i32
      %mul3A_132 = arith.muli %select_n3A_130, %mul3A_131 : i32
      %get3A = arith.index_cast %select_n3A : i32 to index
      %get3A_133 = arith.index_cast %mul3A_110 : i32 to index
      %get3A_134 = tpu.vector_load %arg5[%get3A, %get3A_133] {strides = array<i32>} : memref<128x128xi32, #tpu.memory_space<vmem>>, vector<1x16xi32>,
      %get3A_135 = vector.shape_cast %get3A_134 : vector<1x16xi32> to vector<16xi32>
      %add3A_136 = arith.addi %get3A_135, %mul3A_5 : vector<16xi32>
      %add3A_137 = vector.broadcast %mul3A_132 : i32 to vector<16xi32>
      %add3A_138 = arith.addi %add3A_136, %add3A_137 : vector<16xi32>
      %swap3A = arith.index_cast %select_n3A : i32 to index
      %swap3A_139 = arith.index_cast %mul3A_110 : i32 to index
      %swap3A_140 = tpu.vector_load %arg5[%swap3A, %swap3A_139] {strides = array<i32>} : memref<128x128xi32, #tpu.memory_space<vmem>>, vector<1x16xi32>,
      %swap3A_141 = vector.shape_cast %swap3A_140 : vector<1x16xi32> to vector<16xi32>
      %swap3A_142 = vector.shape_cast %add3A_138 : vector<16xi32> to vector<1x16xi32>
      tpu.vector_store %arg5[%swap3A, %swap3A_139], %swap3A_142 {strides = array<i32>} : memref<128x128xi32, #tpu.memory_space<vmem>>, vector<1x16xi32>,
    }
    %scan3A_12 = arith.constant 1024 : i32
    %scan3A_13 = arith.constant 0 : i32
    %scan3A_14 = arith.constant 0 : i32
    %scan3A_15 = arith.constant 32 : i32
    %scan3A_16 = arith.addi %scan3A_14, %scan3A_15 : i32
    %scan3A_17 = arith.constant 1 : i32
    scf.for %scan3A_78 = %scan3A_14 to %scan3A_16 step %scan3A_17  : i32 {
      %mul3A_79 = arith.constant 512 : i32
      %mul3A_80 = arith.muli %scan3A_78, %mul3A_79 : i32
      %gt3A = arith.constant 0 : i32
      %gt3A_81 = arith.cmpi sgt, %scan3A_78, %gt3A : i32
      %convert_element_type3A = arith.extui %gt3A_81 : i1 to i32
      %cond3A = arith.constant 0 : i32
      %cond3A_82 = arith.cmpi ne, %convert_element_type3A, %cond3A : i32
      scf.if %cond3A_82 {
        %dma_wait3A_250 = arith.constant 0 : i32
        %dma_wait3A_251 = arith.constant 0 : i32
        %dma_wait3A_252 = arith.constant 0 : i32
        %dma_wait3A_253 = tpu.memref_slice %arg6[%dma_wait3A_250, %dma_wait3A_251, %dma_wait3A_252] : memref<4x128x128xf32, #tpu.memory_space<vmem>> -> memref<1x128x128xf32, #tpu.memory_space<vmem>>
        %dma_wait3A_254 = tpu.memref_squeeze %dma_wait3A_253 : memref<1x128x128xf32, #tpu.memory_space<vmem>> -> memref<128x128xf32, #tpu.memory_space<vmem>>
        %dma_wait3A_255 = arith.constant 0 : i32
        %dma_wait3A_256 = arith.constant 0 : i32
        %dma_wait3A_257 = tpu.memref_slice %arg4[%dma_wait3A_255, %dma_wait3A_256] : memref<524288x128xf32, #tpu.memory_space<hbm>> -> memref<128x128xf32, #tpu.memory_space<hbm>>
        %dma_wait3A_258 = arith.constant 0 : i32
        %dma_wait3A_259 = arith.constant 0 : i32
        %dma_wait3A_260 = tpu.memref_slice %arg6[%dma_wait3A_250, %dma_wait3A_258, %dma_wait3A_259] : memref<4x128x128xf32, #tpu.memory_space<vmem>> -> memref<1x128x128xf32, #tpu.memory_space<vmem>>
        %dma_wait3A_261 = tpu.memref_squeeze %dma_wait3A_260 : memref<1x128x128xf32, #tpu.memory_space<vmem>> -> memref<128x128xf32, #tpu.memory_space<vmem>>
        %dma_wait3A_262 = arith.constant 0 : i32
        %dma_wait3A_263 = arith.constant 0 : i32
        %dma_wait3A_264 = tpu.memref_slice %arg4[%dma_wait3A_262, %dma_wait3A_263] : memref<524288x128xf32, #tpu.memory_space<hbm>> -> memref<128x128xf32, #tpu.memory_space<hbm>>
        tpu.wait_dma2 semaphore(%arg8 : memref<!tpu.dma_semaphore, #tpu.memory_space<semaphore_mem>>) src(%dma_wait3A_264 : memref<128x128xf32, #tpu.memory_space<hbm>>) dst(%dma_wait3A_261 : memref<128x128xf32, #tpu.memory_space<vmem>>)
        %dma_wait3A_265 = arith.constant 1 : i32
        %dma_wait3A_266 = arith.constant 0 : i32
        %dma_wait3A_267 = arith.constant 0 : i32
        %dma_wait3A_268 = tpu.memref_slice %arg6[%dma_wait3A_265, %dma_wait3A_266, %dma_wait3A_267] : memref<4x128x128xf32, #tpu.memory_space<vmem>> -> memref<1x128x128xf32, #tpu.memory_space<vmem>>
        %dma_wait3A_269 = tpu.memref_squeeze %dma_wait3A_268 : memref<1x128x128xf32, #tpu.memory_space<vmem>> -> memref<128x128xf32, #tpu.memory_space<vmem>>
        %dma_wait3A_270 = arith.constant 0 : i32
        %dma_wait3A_271 = arith.constant 0 : i32
        %dma_wait3A_272 = tpu.memref_slice %arg4[%dma_wait3A_270, %dma_wait3A_271] : memref<524288x128xf32, #tpu.memory_space<hbm>> -> memref<128x128xf32, #tpu.memory_space<hbm>>
        %dma_wait3A_273 = arith.constant 0 : i32
        %dma_wait3A_274 = arith.constant 0 : i32
        %dma_wait3A_275 = tpu.memref_slice %arg6[%dma_wait3A_265, %dma_wait3A_273, %dma_wait3A_274] : memref<4x128x128xf32, #tpu.memory_space<vmem>> -> memref<1x128x128xf32, #tpu.memory_space<vmem>>
        %dma_wait3A_276 = tpu.memref_squeeze %dma_wait3A_275 : memref<1x128x128xf32, #tpu.memory_space<vmem>> -> memref<128x128xf32, #tpu.memory_space<vmem>>
        %dma_wait3A_277 = arith.constant 0 : i32
        %dma_wait3A_278 = arith.constant 0 : i32
        %dma_wait3A_279 = tpu.memref_slice %arg4[%dma_wait3A_277, %dma_wait3A_278] : memref<524288x128xf32, #tpu.memory_space<hbm>> -> memref<128x128xf32, #tpu.memory_space<hbm>>
        tpu.wait_dma2 semaphore(%arg8 : memref<!tpu.dma_semaphore, #tpu.memory_space<semaphore_mem>>) src(%dma_wait3A_279 : memref<128x128xf32, #tpu.memory_space<hbm>>) dst(%dma_wait3A_276 : memref<128x128xf32, #tpu.memory_space<vmem>>)
        %dma_wait3A_280 = arith.constant 2 : i32
        %dma_wait3A_281 = arith.constant 0 : i32
        %dma_wait3A_282 = arith.constant 0 : i32
        %dma_wait3A_283 = tpu.memref_slice %arg6[%dma_wait3A_280, %dma_wait3A_281, %dma_wait3A_282] : memref<4x128x128xf32, #tpu.memory_space<vmem>> -> memref<1x128x128xf32, #tpu.memory_space<vmem>>
        %dma_wait3A_284 = tpu.memref_squeeze %dma_wait3A_283 : memref<1x128x128xf32, #tpu.memory_space<vmem>> -> memref<128x128xf32, #tpu.memory_space<vmem>>
        %dma_wait3A_285 = arith.constant 0 : i32
        %dma_wait3A_286 = arith.constant 0 : i32
        %dma_wait3A_287 = tpu.memref_slice %arg4[%dma_wait3A_285, %dma_wait3A_286] : memref<524288x128xf32, #tpu.memory_space<hbm>> -> memref<128x128xf32, #tpu.memory_space<hbm>>
        %dma_wait3A_288 = arith.constant 0 : i32
        %dma_wait3A_289 = arith.constant 0 : i32
        %dma_wait3A_290 = tpu.memref_slice %arg6[%dma_wait3A_280, %dma_wait3A_288, %dma_wait3A_289] : memref<4x128x128xf32, #tpu.memory_space<vmem>> -> memref<1x128x128xf32, #tpu.memory_space<vmem>>
        %dma_wait3A_291 = tpu.memref_squeeze %dma_wait3A_290 : memref<1x128x128xf32, #tpu.memory_space<vmem>> -> memref<128x128xf32, #tpu.memory_space<vmem>>
        %dma_wait3A_292 = arith.constant 0 : i32
        %dma_wait3A_293 = arith.constant 0 : i32
        %dma_wait3A_294 = tpu.memref_slice %arg4[%dma_wait3A_292, %dma_wait3A_293] : memref<524288x128xf32, #tpu.memory_space<hbm>> -> memref<128x128xf32, #tpu.memory_space<hbm>>
        tpu.wait_dma2 semaphore(%arg8 : memref<!tpu.dma_semaphore, #tpu.memory_space<semaphore_mem>>) src(%dma_wait3A_294 : memref<128x128xf32, #tpu.memory_space<hbm>>) dst(%dma_wait3A_291 : memref<128x128xf32, #tpu.memory_space<vmem>>)
        %dma_wait3A_295 = arith.constant 3 : i32
        %dma_wait3A_296 = arith.constant 0 : i32
        %dma_wait3A_297 = arith.constant 0 : i32
        %dma_wait3A_298 = tpu.memref_slice %arg6[%dma_wait3A_295, %dma_wait3A_296, %dma_wait3A_297] : memref<4x128x128xf32, #tpu.memory_space<vmem>> -> memref<1x128x128xf32, #tpu.memory_space<vmem>>
        %dma_wait3A_299 = tpu.memref_squeeze %dma_wait3A_298 : memref<1x128x128xf32, #tpu.memory_space<vmem>> -> memref<128x128xf32, #tpu.memory_space<vmem>>
        %dma_wait3A_300 = arith.constant 0 : i32
        %dma_wait3A_301 = arith.constant 0 : i32
        %dma_wait3A_302 = tpu.memref_slice %arg4[%dma_wait3A_300, %dma_wait3A_301] : memref<524288x128xf32, #tpu.memory_space<hbm>> -> memref<128x128xf32, #tpu.memory_space<hbm>>
        %dma_wait3A_303 = arith.constant 0 : i32
        %dma_wait3A_304 = arith.constant 0 : i32
        %dma_wait3A_305 = tpu.memref_slice %arg6[%dma_wait3A_295, %dma_wait3A_303, %dma_wait3A_304] : memref<4x128x128xf32, #tpu.memory_space<vmem>> -> memref<1x128x128xf32, #tpu.memory_space<vmem>>
        %dma_wait3A_306 = tpu.memref_squeeze %dma_wait3A_305 : memref<1x128x128xf32, #tpu.memory_space<vmem>> -> memref<128x128xf32, #tpu.memory_space<vmem>>
        %dma_wait3A_307 = arith.constant 0 : i32
        %dma_wait3A_308 = arith.constant 0 : i32
        %dma_wait3A_309 = tpu.memref_slice %arg4[%dma_wait3A_307, %dma_wait3A_308] : memref<524288x128xf32, #tpu.memory_space<hbm>> -> memref<128x128xf32, #tpu.memory_space<hbm>>
        tpu.wait_dma2 semaphore(%arg8 : memref<!tpu.dma_semaphore, #tpu.memory_space<semaphore_mem>>) src(%dma_wait3A_309 : memref<128x128xf32, #tpu.memory_space<hbm>>) dst(%dma_wait3A_306 : memref<128x128xf32, #tpu.memory_space<vmem>>)
      } else {
      }
      %mul3A_83 = arith.constant 4 : i32
      %mul3A_84 = arith.muli %scan3A_78, %mul3A_83 : i32
      %add3A_85 = arith.constant 0 : i32
      %add3A_86 = arith.addi %mul3A_84, %add3A_85 : i32
      %dma_start3A = arith.constant 0 : i32
      %dma_start3A_87 = arith.constant 0 : i32
      %dma_start3A_88 = arith.constant 0 : i32
      %dma_start3A_89 = tpu.memref_slice %arg6[%dma_start3A, %dma_start3A_87, %dma_start3A_88] : memref<4x128x128xf32, #tpu.memory_space<vmem>> -> memref<1x128x128xf32, #tpu.memory_space<vmem>>
      %dma_start3A_90 = tpu.memref_squeeze %dma_start3A_89 : memref<1x128x128xf32, #tpu.memory_space<vmem>> -> memref<128x128xf32, #tpu.memory_space<vmem>>
      %dma_start3A_91 = arith.constant 0 : i32
      %dma_start3A_92 = tpu.memref_slice %arg5[%add3A_86, %dma_start3A_91] : memref<128x128xi32, #tpu.memory_space<vmem>> -> memref<1x128xi32, #tpu.memory_space<vmem>>
      %dma_start3A_93 = tpu.memref_squeeze %dma_start3A_92 : memref<1x128xi32, #tpu.memory_space<vmem>> -> memref<128xi32, #tpu.memory_space<vmem>>
      %dma_start3A_94 = arith.constant 0 : i32
      %dma_start3A_95 = arith.constant 0 : i32
      %dma_start3A_96 = tpu.memref_slice %arg2[%dma_start3A_94, %dma_start3A_95] : memref<16384x128xf32, #tpu.memory_space<hbm>> -> memref<16384x128xf32, #tpu.memory_space<hbm>>
      tpu.enqueue_indirect_dma source(%dma_start3A_96 : memref<16384x128xf32, #tpu.memory_space<hbm>>) target(%dma_start3A_90 : memref<128x128xf32, #tpu.memory_space<vmem>>) offsets(%dma_start3A_93 : memref<128xi32, #tpu.memory_space<vmem>>) semaphore(%arg7 : memref<!tpu.dma_semaphore, #tpu.memory_space<semaphore_mem>>)
      %mul3A_97 = arith.constant 4 : i32
      %mul3A_98 = arith.muli %scan3A_78, %mul3A_97 : i32
      %add3A_99 = arith.constant 1 : i32
      %add3A_100 = arith.addi %mul3A_98, %add3A_99 : i32
      %dma_start3A_101 = arith.constant 1 : i32
      %dma_start3A_102 = arith.constant 0 : i32
      %dma_start3A_103 = arith.constant 0 : i32
      %dma_start3A_104 = tpu.memref_slice %arg6[%dma_start3A_101, %dma_start3A_102, %dma_start3A_103] : memref<4x128x128xf32, #tpu.memory_space<vmem>> -> memref<1x128x128xf32, #tpu.memory_space<vmem>>
      %dma_start3A_105 = tpu.memref_squeeze %dma_start3A_104 : memref<1x128x128xf32, #tpu.memory_space<vmem>> -> memref<128x128xf32, #tpu.memory_space<vmem>>
      %dma_start3A_106 = arith.constant 0 : i32
      %dma_start3A_107 = tpu.memref_slice %arg5[%add3A_100, %dma_start3A_106] : memref<128x128xi32, #tpu.memory_space<vmem>> -> memref<1x128xi32, #tpu.memory_space<vmem>>
      %dma_start3A_108 = tpu.memref_squeeze %dma_start3A_107 : memref<1x128xi32, #tpu.memory_space<vmem>> -> memref<128xi32, #tpu.memory_space<vmem>>
      %dma_start3A_109 = arith.constant 0 : i32
      %dma_start3A_110 = arith.constant 0 : i32
      %dma_start3A_111 = tpu.memref_slice %arg2[%dma_start3A_109, %dma_start3A_110] : memref<16384x128xf32, #tpu.memory_space<hbm>> -> memref<16384x128xf32, #tpu.memory_space<hbm>>
      tpu.enqueue_indirect_dma source(%dma_start3A_111 : memref<16384x128xf32, #tpu.memory_space<hbm>>) target(%dma_start3A_105 : memref<128x128xf32, #tpu.memory_space<vmem>>) offsets(%dma_start3A_108 : memref<128xi32, #tpu.memory_space<vmem>>) semaphore(%arg7 : memref<!tpu.dma_semaphore, #tpu.memory_space<semaphore_mem>>)
      %mul3A_112 = arith.constant 4 : i32
      %mul3A_113 = arith.muli %scan3A_78, %mul3A_112 : i32
      %add3A_114 = arith.constant 2 : i32
      %add3A_115 = arith.addi %mul3A_113, %add3A_114 : i32
      %dma_start3A_116 = arith.constant 2 : i32
      %dma_start3A_117 = arith.constant 0 : i32
      %dma_start3A_118 = arith.constant 0 : i32
      %dma_start3A_119 = tpu.memref_slice %arg6[%dma_start3A_116, %dma_start3A_117, %dma_start3A_118] : memref<4x128x128xf32, #tpu.memory_space<vmem>> -> memref<1x128x128xf32, #tpu.memory_space<vmem>>
      %dma_start3A_120 = tpu.memref_squeeze %dma_start3A_119 : memref<1x128x128xf32, #tpu.memory_space<vmem>> -> memref<128x128xf32, #tpu.memory_space<vmem>>
      %dma_start3A_121 = arith.constant 0 : i32
      %dma_start3A_122 = tpu.memref_slice %arg5[%add3A_115, %dma_start3A_121] : memref<128x128xi32, #tpu.memory_space<vmem>> -> memref<1x128xi32, #tpu.memory_space<vmem>>
      %dma_start3A_123 = tpu.memref_squeeze %dma_start3A_122 : memref<1x128xi32, #tpu.memory_space<vmem>> -> memref<128xi32, #tpu.memory_space<vmem>>
      %dma_start3A_124 = arith.constant 0 : i32
      %dma_start3A_125 = arith.constant 0 : i32
      %dma_start3A_126 = tpu.memref_slice %arg2[%dma_start3A_124, %dma_start3A_125] : memref<16384x128xf32, #tpu.memory_space<hbm>> -> memref<16384x128xf32, #tpu.memory_space<hbm>>
      tpu.enqueue_indirect_dma source(%dma_start3A_126 : memref<16384x128xf32, #tpu.memory_space<hbm>>) target(%dma_start3A_120 : memref<128x128xf32, #tpu.memory_space<vmem>>) offsets(%dma_start3A_123 : memref<128xi32, #tpu.memory_space<vmem>>) semaphore(%arg7 : memref<!tpu.dma_semaphore, #tpu.memory_space<semaphore_mem>>)
      %mul3A_127 = arith.constant 4 : i32
      %mul3A_128 = arith.muli %scan3A_78, %mul3A_127 : i32
      %add3A_129 = arith.constant 3 : i32
      %add3A_130 = arith.addi %mul3A_128, %add3A_129 : i32
      %dma_start3A_131 = arith.constant 3 : i32
      %dma_start3A_132 = arith.constant 0 : i32
      %dma_start3A_133 = arith.constant 0 : i32
      %dma_start3A_134 = tpu.memref_slice %arg6[%dma_start3A_131, %dma_start3A_132, %dma_start3A_133] : memref<4x128x128xf32, #tpu.memory_space<vmem>> -> memref<1x128x128xf32, #tpu.memory_space<vmem>>
      %dma_start3A_135 = tpu.memref_squeeze %dma_start3A_134 : memref<1x128x128xf32, #tpu.memory_space<vmem>> -> memref<128x128xf32, #tpu.memory_space<vmem>>
      %dma_start3A_136 = arith.constant 0 : i32
      %dma_start3A_137 = tpu.memref_slice %arg5[%add3A_130, %dma_start3A_136] : memref<128x128xi32, #tpu.memory_space<vmem>> -> memref<1x128xi32, #tpu.memory_space<vmem>>
      %dma_start3A_138 = tpu.memref_squeeze %dma_start3A_137 : memref<1x128xi32, #tpu.memory_space<vmem>> -> memref<128xi32, #tpu.memory_space<vmem>>
      %dma_start3A_139 = arith.constant 0 : i32
      %dma_start3A_140 = arith.constant 0 : i32
      %dma_start3A_141 = tpu.memref_slice %arg2[%dma_start3A_139, %dma_start3A_140] : memref<16384x128xf32, #tpu.memory_space<hbm>> -> memref<16384x128xf32, #tpu.memory_space<hbm>>
      tpu.enqueue_indirect_dma source(%dma_start3A_141 : memref<16384x128xf32, #tpu.memory_space<hbm>>) target(%dma_start3A_135 : memref<128x128xf32, #tpu.memory_space<vmem>>) offsets(%dma_start3A_138 : memref<128xi32, #tpu.memory_space<vmem>>) semaphore(%arg7 : memref<!tpu.dma_semaphore, #tpu.memory_space<semaphore_mem>>)
      %dma_wait3A_142 = arith.constant 0 : i32
      %dma_wait3A_143 = arith.constant 0 : i32
      %dma_wait3A_144 = arith.constant 0 : i32
      %dma_wait3A_145 = tpu.memref_slice %arg6[%dma_wait3A_142, %dma_wait3A_143, %dma_wait3A_144] : memref<4x128x128xf32, #tpu.memory_space<vmem>> -> memref<1x128x128xf32, #tpu.memory_space<vmem>>
      %dma_wait3A_146 = tpu.memref_squeeze %dma_wait3A_145 : memref<1x128x128xf32, #tpu.memory_space<vmem>> -> memref<128x128xf32, #tpu.memory_space<vmem>>
      %dma_wait3A_147 = arith.constant 0 : i32
      %dma_wait3A_148 = tpu.memref_slice %arg5[%add3A_86, %dma_wait3A_147] : memref<128x128xi32, #tpu.memory_space<vmem>> -> memref<1x128xi32, #tpu.memory_space<vmem>>
      %dma_wait3A_149 = tpu.memref_squeeze %dma_wait3A_148 : memref<1x128xi32, #tpu.memory_space<vmem>> -> memref<128xi32, #tpu.memory_space<vmem>>
      %dma_wait3A_150 = arith.constant 0 : i32
      %dma_wait3A_151 = arith.constant 0 : i32
      %dma_wait3A_152 = tpu.memref_slice %arg2[%dma_wait3A_150, %dma_wait3A_151] : memref<16384x128xf32, #tpu.memory_space<hbm>> -> memref<16384x128xf32, #tpu.memory_space<hbm>>
      tpu.wait_indirect_dma semaphore(%arg7 : memref<!tpu.dma_semaphore, #tpu.memory_space<semaphore_mem>>) src(%dma_wait3A_152 : memref<16384x128xf32, #tpu.memory_space<hbm>>) dst(%dma_wait3A_146 : memref<128x128xf32, #tpu.memory_space<vmem>>)
      %add3A_153 = arith.addi %mul3A_2, %mul3A_80 : i32
      %add3A_154 = arith.constant 0 : i32
      %add3A_155 = arith.addi %add3A_153, %add3A_154 : i32
      %dma_start3A_156 = arith.constant 0 : i32
      %dma_start3A_157 = arith.constant 0 : i32
      %dma_start3A_158 = arith.constant 0 : i32
      %dma_start3A_159 = tpu.memref_slice %arg6[%dma_start3A_156, %dma_start3A_157, %dma_start3A_158] : memref<4x128x128xf32, #tpu.memory_space<vmem>> -> memref<1x128x128xf32, #tpu.memory_space<vmem>>
      %dma_start3A_160 = tpu.memref_squeeze %dma_start3A_159 : memref<1x128x128xf32, #tpu.memory_space<vmem>> -> memref<128x128xf32, #tpu.memory_space<vmem>>
      %dma_start3A_161 = arith.constant 0 : i32
      %dma_start3A_162 = tpu.memref_slice %arg4[%add3A_155, %dma_start3A_161] : memref<524288x128xf32, #tpu.memory_space<hbm>> -> memref<128x128xf32, #tpu.memory_space<hbm>>
      %dma_start3A_163 = arith.constant 0 : i32
      %dma_start3A_164 = tpu.memref_slice %arg4[%add3A_155, %dma_start3A_163] : memref<524288x128xf32, #tpu.memory_space<hbm>> -> memref<128x128xf32, #tpu.memory_space<hbm>>
      %dma_start3A_165 = arith.constant 0 : i32
      %dma_start3A_166 = arith.constant 0 : i32
      %dma_start3A_167 = tpu.memref_slice %arg6[%dma_start3A_156, %dma_start3A_165, %dma_start3A_166] : memref<4x128x128xf32, #tpu.memory_space<vmem>> -> memref<1x128x128xf32, #tpu.memory_space<vmem>>
      %dma_start3A_168 = tpu.memref_squeeze %dma_start3A_167 : memref<1x128x128xf32, #tpu.memory_space<vmem>> -> memref<128x128xf32, #tpu.memory_space<vmem>>
      tpu.enqueue_dma source(%dma_start3A_168 : memref<128x128xf32, #tpu.memory_space<vmem>>) target(%dma_start3A_164 : memref<128x128xf32, #tpu.memory_space<hbm>>) target_semaphore(%arg8 : memref<!tpu.dma_semaphore, #tpu.memory_space<semaphore_mem>>)
      %dma_wait3A_169 = arith.constant 1 : i32
      %dma_wait3A_170 = arith.constant 0 : i32
      %dma_wait3A_171 = arith.constant 0 : i32
      %dma_wait3A_172 = tpu.memref_slice %arg6[%dma_wait3A_169, %dma_wait3A_170, %dma_wait3A_171] : memref<4x128x128xf32, #tpu.memory_space<vmem>> -> memref<1x128x128xf32, #tpu.memory_space<vmem>>
      %dma_wait3A_173 = tpu.memref_squeeze %dma_wait3A_172 : memref<1x128x128xf32, #tpu.memory_space<vmem>> -> memref<128x128xf32, #tpu.memory_space<vmem>>
      %dma_wait3A_174 = arith.constant 0 : i32
      %dma_wait3A_175 = tpu.memref_slice %arg5[%add3A_100, %dma_wait3A_174] : memref<128x128xi32, #tpu.memory_space<vmem>> -> memref<1x128xi32, #tpu.memory_space<vmem>>
      %dma_wait3A_176 = tpu.memref_squeeze %dma_wait3A_175 : memref<1x128xi32, #tpu.memory_space<vmem>> -> memref<128xi32, #tpu.memory_space<vmem>>
      %dma_wait3A_177 = arith.constant 0 : i32
      %dma_wait3A_178 = arith.constant 0 : i32
      %dma_wait3A_179 = tpu.memref_slice %arg2[%dma_wait3A_177, %dma_wait3A_178] : memref<16384x128xf32, #tpu.memory_space<hbm>> -> memref<16384x128xf32, #tpu.memory_space<hbm>>
      tpu.wait_indirect_dma semaphore(%arg7 : memref<!tpu.dma_semaphore, #tpu.memory_space<semaphore_mem>>) src(%dma_wait3A_179 : memref<16384x128xf32, #tpu.memory_space<hbm>>) dst(%dma_wait3A_173 : memref<128x128xf32, #tpu.memory_space<vmem>>)
      %add3A_180 = arith.addi %mul3A_2, %mul3A_80 : i32
      %add3A_181 = arith.constant 128 : i32
      %add3A_182 = arith.addi %add3A_180, %add3A_181 : i32
      %dma_start3A_183 = arith.constant 1 : i32
      %dma_start3A_184 = arith.constant 0 : i32
      %dma_start3A_185 = arith.constant 0 : i32
      %dma_start3A_186 = tpu.memref_slice %arg6[%dma_start3A_183, %dma_start3A_184, %dma_start3A_185] : memref<4x128x128xf32, #tpu.memory_space<vmem>> -> memref<1x128x128xf32, #tpu.memory_space<vmem>>
      %dma_start3A_187 = tpu.memref_squeeze %dma_start3A_186 : memref<1x128x128xf32, #tpu.memory_space<vmem>> -> memref<128x128xf32, #tpu.memory_space<vmem>>
      %dma_start3A_188 = arith.constant 0 : i32
      %dma_start3A_189 = tpu.memref_slice %arg4[%add3A_182, %dma_start3A_188] : memref<524288x128xf32, #tpu.memory_space<hbm>> -> memref<128x128xf32, #tpu.memory_space<hbm>>
      %dma_start3A_190 = arith.constant 0 : i32
      %dma_start3A_191 = tpu.memref_slice %arg4[%add3A_182, %dma_start3A_190] : memref<524288x128xf32, #tpu.memory_space<hbm>> -> memref<128x128xf32, #tpu.memory_space<hbm>>
      %dma_start3A_192 = arith.constant 0 : i32
      %dma_start3A_193 = arith.constant 0 : i32
      %dma_start3A_194 = tpu.memref_slice %arg6[%dma_start3A_183, %dma_start3A_192, %dma_start3A_193] : memref<4x128x128xf32, #tpu.memory_space<vmem>> -> memref<1x128x128xf32, #tpu.memory_space<vmem>>
      %dma_start3A_195 = tpu.memref_squeeze %dma_start3A_194 : memref<1x128x128xf32, #tpu.memory_space<vmem>> -> memref<128x128xf32, #tpu.memory_space<vmem>>
      tpu.enqueue_dma source(%dma_start3A_195 : memref<128x128xf32, #tpu.memory_space<vmem>>) target(%dma_start3A_191 : memref<128x128xf32, #tpu.memory_space<hbm>>) target_semaphore(%arg8 : memref<!tpu.dma_semaphore, #tpu.memory_space<semaphore_mem>>)
      %dma_wait3A_196 = arith.constant 2 : i32
      %dma_wait3A_197 = arith.constant 0 : i32
      %dma_wait3A_198 = arith.constant 0 : i32
      %dma_wait3A_199 = tpu.memref_slice %arg6[%dma_wait3A_196, %dma_wait3A_197, %dma_wait3A_198] : memref<4x128x128xf32, #tpu.memory_space<vmem>> -> memref<1x128x128xf32, #tpu.memory_space<vmem>>
      %dma_wait3A_200 = tpu.memref_squeeze %dma_wait3A_199 : memref<1x128x128xf32, #tpu.memory_space<vmem>> -> memref<128x128xf32, #tpu.memory_space<vmem>>
      %dma_wait3A_201 = arith.constant 0 : i32
      %dma_wait3A_202 = tpu.memref_slice %arg5[%add3A_115, %dma_wait3A_201] : memref<128x128xi32, #tpu.memory_space<vmem>> -> memref<1x128xi32, #tpu.memory_space<vmem>>
      %dma_wait3A_203 = tpu.memref_squeeze %dma_wait3A_202 : memref<1x128xi32, #tpu.memory_space<vmem>> -> memref<128xi32, #tpu.memory_space<vmem>>
      %dma_wait3A_204 = arith.constant 0 : i32
      %dma_wait3A_205 = arith.constant 0 : i32
      %dma_wait3A_206 = tpu.memref_slice %arg2[%dma_wait3A_204, %dma_wait3A_205] : memref<16384x128xf32, #tpu.memory_space<hbm>> -> memref<16384x128xf32, #tpu.memory_space<hbm>>
      tpu.wait_indirect_dma semaphore(%arg7 : memref<!tpu.dma_semaphore, #tpu.memory_space<semaphore_mem>>) src(%dma_wait3A_206 : memref<16384x128xf32, #tpu.memory_space<hbm>>) dst(%dma_wait3A_200 : memref<128x128xf32, #tpu.memory_space<vmem>>)
      %add3A_207 = arith.addi %mul3A_2, %mul3A_80 : i32
      %add3A_208 = arith.constant 256 : i32
      %add3A_209 = arith.addi %add3A_207, %add3A_208 : i32
      %dma_start3A_210 = arith.constant 2 : i32
      %dma_start3A_211 = arith.constant 0 : i32
      %dma_start3A_212 = arith.constant 0 : i32
      %dma_start3A_213 = tpu.memref_slice %arg6[%dma_start3A_210, %dma_start3A_211, %dma_start3A_212] : memref<4x128x128xf32, #tpu.memory_space<vmem>> -> memref<1x128x128xf32, #tpu.memory_space<vmem>>
      %dma_start3A_214 = tpu.memref_squeeze %dma_start3A_213 : memref<1x128x128xf32, #tpu.memory_space<vmem>> -> memref<128x128xf32, #tpu.memory_space<vmem>>
      %dma_start3A_215 = arith.constant 0 : i32
      %dma_start3A_216 = tpu.memref_slice %arg4[%add3A_209, %dma_start3A_215] : memref<524288x128xf32, #tpu.memory_space<hbm>> -> memref<128x128xf32, #tpu.memory_space<hbm>>
      %dma_start3A_217 = arith.constant 0 : i32
      %dma_start3A_218 = tpu.memref_slice %arg4[%add3A_209, %dma_start3A_217] : memref<524288x128xf32, #tpu.memory_space<hbm>> -> memref<128x128xf32, #tpu.memory_space<hbm>>
      %dma_start3A_219 = arith.constant 0 : i32
      %dma_start3A_220 = arith.constant 0 : i32
      %dma_start3A_221 = tpu.memref_slice %arg6[%dma_start3A_210, %dma_start3A_219, %dma_start3A_220] : memref<4x128x128xf32, #tpu.memory_space<vmem>> -> memref<1x128x128xf32, #tpu.memory_space<vmem>>
      %dma_start3A_222 = tpu.memref_squeeze %dma_start3A_221 : memref<1x128x128xf32, #tpu.memory_space<vmem>> -> memref<128x128xf32, #tpu.memory_space<vmem>>
      tpu.enqueue_dma source(%dma_start3A_222 : memref<128x128xf32, #tpu.memory_space<vmem>>) target(%dma_start3A_218 : memref<128x128xf32, #tpu.memory_space<hbm>>) target_semaphore(%arg8 : memref<!tpu.dma_semaphore, #tpu.memory_space<semaphore_mem>>)
      %dma_wait3A_223 = arith.constant 3 : i32
      %dma_wait3A_224 = arith.constant 0 : i32
      %dma_wait3A_225 = arith.constant 0 : i32
      %dma_wait3A_226 = tpu.memref_slice %arg6[%dma_wait3A_223, %dma_wait3A_224, %dma_wait3A_225] : memref<4x128x128xf32, #tpu.memory_space<vmem>> -> memref<1x128x128xf32, #tpu.memory_space<vmem>>
      %dma_wait3A_227 = tpu.memref_squeeze %dma_wait3A_226 : memref<1x128x128xf32, #tpu.memory_space<vmem>> -> memref<128x128xf32, #tpu.memory_space<vmem>>
      %dma_wait3A_228 = arith.constant 0 : i32
      %dma_wait3A_229 = tpu.memref_slice %arg5[%add3A_130, %dma_wait3A_228] : memref<128x128xi32, #tpu.memory_space<vmem>> -> memref<1x128xi32, #tpu.memory_space<vmem>>
      %dma_wait3A_230 = tpu.memref_squeeze %dma_wait3A_229 : memref<1x128xi32, #tpu.memory_space<vmem>> -> memref<128xi32, #tpu.memory_space<vmem>>
      %dma_wait3A_231 = arith.constant 0 : i32
      %dma_wait3A_232 = arith.constant 0 : i32
      %dma_wait3A_233 = tpu.memref_slice %arg2[%dma_wait3A_231, %dma_wait3A_232] : memref<16384x128xf32, #tpu.memory_space<hbm>> -> memref<16384x128xf32, #tpu.memory_space<hbm>>
      tpu.wait_indirect_dma semaphore(%arg7 : memref<!tpu.dma_semaphore, #tpu.memory_space<semaphore_mem>>) src(%dma_wait3A_233 : memref<16384x128xf32, #tpu.memory_space<hbm>>) dst(%dma_wait3A_227 : memref<128x128xf32, #tpu.memory_space<vmem>>)
      %add3A_234 = arith.addi %mul3A_2, %mul3A_80 : i32
      %add3A_235 = arith.constant 384 : i32
      %add3A_236 = arith.addi %add3A_234, %add3A_235 : i32
      %dma_start3A_237 = arith.constant 3 : i32
      %dma_start3A_238 = arith.constant 0 : i32
      %dma_start3A_239 = arith.constant 0 : i32
      %dma_start3A_240 = tpu.memref_slice %arg6[%dma_start3A_237, %dma_start3A_238, %dma_start3A_239] : memref<4x128x128xf32, #tpu.memory_space<vmem>> -> memref<1x128x128xf32, #tpu.memory_space<vmem>>
      %dma_start3A_241 = tpu.memref_squeeze %dma_start3A_240 : memref<1x128x128xf32, #tpu.memory_space<vmem>> -> memref<128x128xf32, #tpu.memory_space<vmem>>
      %dma_start3A_242 = arith.constant 0 : i32
      %dma_start3A_243 = tpu.memref_slice %arg4[%add3A_236, %dma_start3A_242] : memref<524288x128xf32, #tpu.memory_space<hbm>> -> memref<128x128xf32, #tpu.memory_space<hbm>>
      %dma_start3A_244 = arith.constant 0 : i32
      %dma_start3A_245 = tpu.memref_slice %arg4[%add3A_236, %dma_start3A_244] : memref<524288x128xf32, #tpu.memory_space<hbm>> -> memref<128x128xf32, #tpu.memory_space<hbm>>
      %dma_start3A_246 = arith.constant 0 : i32
      %dma_start3A_247 = arith.constant 0 : i32
      %dma_start3A_248 = tpu.memref_slice %arg6[%dma_start3A_237, %dma_start3A_246, %dma_start3A_247] : memref<4x128x128xf32, #tpu.memory_space<vmem>> -> memref<1x128x128xf32, #tpu.memory_space<vmem>>
      %dma_start3A_249 = tpu.memref_squeeze %dma_start3A_248 : memref<1x128x128xf32, #tpu.memory_space<vmem>> -> memref<128x128xf32, #tpu.memory_space<vmem>>
      tpu.enqueue_dma source(%dma_start3A_249 : memref<128x128xf32, #tpu.memory_space<vmem>>) target(%dma_start3A_245 : memref<128x128xf32, #tpu.memory_space<hbm>>) target_semaphore(%arg8 : memref<!tpu.dma_semaphore, #tpu.memory_space<semaphore_mem>>)
    }
    %scan3A_18 = arith.constant 32 : i32
    %dma_wait3A = arith.constant 0 : i32
    %dma_wait3A_19 = arith.constant 0 : i32
    %dma_wait3A_20 = arith.constant 0 : i32
    %dma_wait3A_21 = tpu.memref_slice %arg6[%dma_wait3A, %dma_wait3A_19, %dma_wait3A_20] : memref<4x128x128xf32, #tpu.memory_space<vmem>> -> memref<1x128x128xf32, #tpu.memory_space<vmem>>
    %dma_wait3A_22 = tpu.memref_squeeze %dma_wait3A_21 : memref<1x128x128xf32, #tpu.memory_space<vmem>> -> memref<128x128xf32, #tpu.memory_space<vmem>>
    %dma_wait3A_23 = arith.constant 0 : i32
    %dma_wait3A_24 = arith.constant 0 : i32
    %dma_wait3A_25 = tpu.memref_slice %arg4[%dma_wait3A_23, %dma_wait3A_24] : memref<524288x128xf32, #tpu.memory_space<hbm>> -> memref<128x128xf32, #tpu.memory_space<hbm>>
    %dma_wait3A_26 = arith.constant 0 : i32
    %dma_wait3A_27 = arith.constant 0 : i32
    %dma_wait3A_28 = tpu.memref_slice %arg6[%dma_wait3A, %dma_wait3A_26, %dma_wait3A_27] : memref<4x128x128xf32, #tpu.memory_space<vmem>> -> memref<1x128x128xf32, #tpu.memory_space<vmem>>
    %dma_wait3A_29 = tpu.memref_squeeze %dma_wait3A_28 : memref<1x128x128xf32, #tpu.memory_space<vmem>> -> memref<128x128xf32, #tpu.memory_space<vmem>>
    %dma_wait3A_30 = arith.constant 0 : i32
    %dma_wait3A_31 = arith.constant 0 : i32
    %dma_wait3A_32 = tpu.memref_slice %arg4[%dma_wait3A_30, %dma_wait3A_31] : memref<524288x128xf32, #tpu.memory_space<hbm>> -> memref<128x128xf32, #tpu.memory_space<hbm>>
    tpu.wait_dma2 semaphore(%arg8 : memref<!tpu.dma_semaphore, #tpu.memory_space<semaphore_mem>>) src(%dma_wait3A_32 : memref<128x128xf32, #tpu.memory_space<hbm>>) dst(%dma_wait3A_29 : memref<128x128xf32, #tpu.memory_space<vmem>>)
    %dma_wait3A_33 = arith.constant 1 : i32
    %dma_wait3A_34 = arith.constant 0 : i32
    %dma_wait3A_35 = arith.constant 0 : i32
    %dma_wait3A_36 = tpu.memref_slice %arg6[%dma_wait3A_33, %dma_wait3A_34, %dma_wait3A_35] : memref<4x128x128xf32, #tpu.memory_space<vmem>> -> memref<1x128x128xf32, #tpu.memory_space<vmem>>
    %dma_wait3A_37 = tpu.memref_squeeze %dma_wait3A_36 : memref<1x128x128xf32, #tpu.memory_space<vmem>> -> memref<128x128xf32, #tpu.memory_space<vmem>>
    %dma_wait3A_38 = arith.constant 0 : i32
    %dma_wait3A_39 = arith.constant 0 : i32
    %dma_wait3A_40 = tpu.memref_slice %arg4[%dma_wait3A_38, %dma_wait3A_39] : memref<524288x128xf32, #tpu.memory_space<hbm>> -> memref<128x128xf32, #tpu.memory_space<hbm>>
    %dma_wait3A_41 = arith.constant 0 : i32
    %dma_wait3A_42 = arith.constant 0 : i32
    %dma_wait3A_43 = tpu.memref_slice %arg6[%dma_wait3A_33, %dma_wait3A_41, %dma_wait3A_42] : memref<4x128x128xf32, #tpu.memory_space<vmem>> -> memref<1x128x128xf32, #tpu.memory_space<vmem>>
    %dma_wait3A_44 = tpu.memref_squeeze %dma_wait3A_43 : memref<1x128x128xf32, #tpu.memory_space<vmem>> -> memref<128x128xf32, #tpu.memory_space<vmem>>
    %dma_wait3A_45 = arith.constant 0 : i32
    %dma_wait3A_46 = arith.constant 0 : i32
    %dma_wait3A_47 = tpu.memref_slice %arg4[%dma_wait3A_45, %dma_wait3A_46] : memref<524288x128xf32, #tpu.memory_space<hbm>> -> memref<128x128xf32, #tpu.memory_space<hbm>>
    tpu.wait_dma2 semaphore(%arg8 : memref<!tpu.dma_semaphore, #tpu.memory_space<semaphore_mem>>) src(%dma_wait3A_47 : memref<128x128xf32, #tpu.memory_space<hbm>>) dst(%dma_wait3A_44 : memref<128x128xf32, #tpu.memory_space<vmem>>)
    %dma_wait3A_48 = arith.constant 2 : i32
    %dma_wait3A_49 = arith.constant 0 : i32
    %dma_wait3A_50 = arith.constant 0 : i32
    %dma_wait3A_51 = tpu.memref_slice %arg6[%dma_wait3A_48, %dma_wait3A_49, %dma_wait3A_50] : memref<4x128x128xf32, #tpu.memory_space<vmem>> -> memref<1x128x128xf32, #tpu.memory_space<vmem>>
    %dma_wait3A_52 = tpu.memref_squeeze %dma_wait3A_51 : memref<1x128x128xf32, #tpu.memory_space<vmem>> -> memref<128x128xf32, #tpu.memory_space<vmem>>
    %dma_wait3A_53 = arith.constant 0 : i32
    %dma_wait3A_54 = arith.constant 0 : i32
    %dma_wait3A_55 = tpu.memref_slice %arg4[%dma_wait3A_53, %dma_wait3A_54] : memref<524288x128xf32, #tpu.memory_space<hbm>> -> memref<128x128xf32, #tpu.memory_space<hbm>>
    %dma_wait3A_56 = arith.constant 0 : i32
    %dma_wait3A_57 = arith.constant 0 : i32
    %dma_wait3A_58 = tpu.memref_slice %arg6[%dma_wait3A_48, %dma_wait3A_56, %dma_wait3A_57] : memref<4x128x128xf32, #tpu.memory_space<vmem>> -> memref<1x128x128xf32, #tpu.memory_space<vmem>>
    %dma_wait3A_59 = tpu.memref_squeeze %dma_wait3A_58 : memref<1x128x128xf32, #tpu.memory_space<vmem>> -> memref<128x128xf32, #tpu.memory_space<vmem>>
    %dma_wait3A_60 = arith.constant 0 : i32
    %dma_wait3A_61 = arith.constant 0 : i32
    %dma_wait3A_62 = tpu.memref_slice %arg4[%dma_wait3A_60, %dma_wait3A_61] : memref<524288x128xf32, #tpu.memory_space<hbm>> -> memref<128x128xf32, #tpu.memory_space<hbm>>
    tpu.wait_dma2 semaphore(%arg8 : memref<!tpu.dma_semaphore, #tpu.memory_space<semaphore_mem>>) src(%dma_wait3A_62 : memref<128x128xf32, #tpu.memory_space<hbm>>) dst(%dma_wait3A_59 : memref<128x128xf32, #tpu.memory_space<vmem>>)
    %dma_wait3A_63 = arith.constant 3 : i32
    %dma_wait3A_64 = arith.constant 0 : i32
    %dma_wait3A_65 = arith.constant 0 : i32
    %dma_wait3A_66 = tpu.memref_slice %arg6[%dma_wait3A_63, %dma_wait3A_64, %dma_wait3A_65] : memref<4x128x128xf32, #tpu.memory_space<vmem>> -> memref<1x128x128xf32, #tpu.memory_space<vmem>>
    %dma_wait3A_67 = tpu.memref_squeeze %dma_wait3A_66 : memref<1x128x128xf32, #tpu.memory_space<vmem>> -> memref<128x128xf32, #tpu.memory_space<vmem>>
    %dma_wait3A_68 = arith.constant 0 : i32
    %dma_wait3A_69 = arith.constant 0 : i32
    %dma_wait3A_70 = tpu.memref_slice %arg4[%dma_wait3A_68, %dma_wait3A_69] : memref<524288x128xf32, #tpu.memory_space<hbm>> -> memref<128x128xf32, #tpu.memory_space<hbm>>
    %dma_wait3A_71 = arith.constant 0 : i32
    %dma_wait3A_72 = arith.constant 0 : i32
    %dma_wait3A_73 = tpu.memref_slice %arg6[%dma_wait3A_63, %dma_wait3A_71, %dma_wait3A_72] : memref<4x128x128xf32, #tpu.memory_space<vmem>> -> memref<1x128x128xf32, #tpu.memory_space<vmem>>
    %dma_wait3A_74 = tpu.memref_squeeze %dma_wait3A_73 : memref<1x128x128xf32, #tpu.memory_space<vmem>> -> memref<128x128xf32, #tpu.memory_space<vmem>>
    %dma_wait3A_75 = arith.constant 0 : i32
    %dma_wait3A_76 = arith.constant 0 : i32
    %dma_wait3A_77 = tpu.memref_slice %arg4[%dma_wait3A_75, %dma_wait3A_76] : memref<524288x128xf32, #tpu.memory_space<hbm>> -> memref<128x128xf32, #tpu.memory_space<hbm>>
    tpu.wait_dma2 semaphore(%arg8 : memref<!tpu.dma_semaphore, #tpu.memory_space<semaphore_mem>>) src(%dma_wait3A_77 : memref<128x128xf32, #tpu.memory_space<hbm>>) dst(%dma_wait3A_74 : memref<128x128xf32, #tpu.memory_space<vmem>>)
    return
  }
}

module attributes {stable_mosaic.version = 14 : i64} {
  func.func @_table_rep_block(%arg0: memref<4x128xf32, #tpu.memory_space<vmem>>, %arg1: memref<1x128xf32, #tpu.memory_space<vmem>>, %arg2: memref<1x128xf32, #tpu.memory_space<vmem>>, %arg3: memref<128x128xf32, #tpu.memory_space<vmem>>, %arg4: memref<4096x4x128xf32, #tpu.memory_space<vmem>>) attributes {dimension_semantics = [], scalar_prefetch = 0 : i64, scratch_operands = 0 : i64, tpu.core_type = #tpu.core_type<tc>} {
    %get3A = arith.constant 0 : index
    %get3A_0 = arith.constant 0 : index
    %get3A_1 = vector.load %arg0[%get3A, %get3A_0] : memref<4x128xf32, #tpu.memory_space<vmem>>, vector<4x128xf32>
    %reduce_sum3A = arith.constant dense<0.000000e+00> : vector<4xf32>
    %reduce_sum3A_2 = vector.multi_reduction <add>, %get3A_1, %reduce_sum3A [1] : vector<4x128xf32> to vector<4xf32>
    %broadcast_in_dim3A = vector.shape_cast %reduce_sum3A_2 : vector<4xf32> to vector<4x1xf32>
    %div3A = arith.constant 1.280000e+02 : f32
    %div3A_3 = vector.broadcast %div3A : f32 to vector<4x1xf32>
    %div3A_4 = arith.divf %broadcast_in_dim3A, %div3A_3 : vector<4x1xf32>
    %sub3A = vector.broadcast %div3A_4 : vector<4x1xf32> to vector<4x128xf32>
    %sub3A_5 = arith.subf %get3A_1, %sub3A : vector<4x128xf32>
    %square3A = arith.mulf %sub3A_5, %sub3A_5 : vector<4x128xf32>
    %reduce_sum3A_6 = arith.constant dense<0.000000e+00> : vector<4xf32>
    %reduce_sum3A_7 = vector.multi_reduction <add>, %square3A, %reduce_sum3A_6 [1] : vector<4x128xf32> to vector<4xf32>
    %broadcast_in_dim3A_8 = vector.shape_cast %reduce_sum3A_7 : vector<4xf32> to vector<4x1xf32>
    %div3A_9 = arith.constant 1.280000e+02 : f32
    %div3A_10 = vector.broadcast %div3A_9 : f32 to vector<4x1xf32>
    %div3A_11 = arith.divf %broadcast_in_dim3A_8, %div3A_10 : vector<4x1xf32>
    %sub3A_12 = vector.broadcast %div3A_4 : vector<4x1xf32> to vector<4x128xf32>
    %sub3A_13 = arith.subf %get3A_1, %sub3A_12 : vector<4x128xf32>
    %add3A = arith.constant 9.99999974E-6 : f32
    %add3A_14 = vector.broadcast %add3A : f32 to vector<4x1xf32>
    %add3A_15 = arith.addf %div3A_11, %add3A_14 : vector<4x1xf32>
    %rsqrt3A = math.rsqrt %add3A_15 : vector<4x1xf32>
    %mul3A = vector.broadcast %rsqrt3A : vector<4x1xf32> to vector<4x128xf32>
    %mul3A_16 = arith.mulf %sub3A_13, %mul3A : vector<4x128xf32>
    %get3A_17 = arith.constant 0 : index
    %get3A_18 = arith.constant 0 : index
    %get3A_19 = vector.load %arg1[%get3A_17, %get3A_18] : memref<1x128xf32, #tpu.memory_space<vmem>>, vector<1x128xf32>
    %mul3A_20 = vector.broadcast %get3A_19 : vector<1x128xf32> to vector<4x128xf32>
    %mul3A_21 = arith.mulf %mul3A_16, %mul3A_20 : vector<4x128xf32>
    %get3A_22 = arith.constant 0 : index
    %get3A_23 = arith.constant 0 : index
    %get3A_24 = vector.load %arg2[%get3A_22, %get3A_23] : memref<1x128xf32, #tpu.memory_space<vmem>>, vector<1x128xf32>
    %add3A_25 = vector.broadcast %get3A_24 : vector<1x128xf32> to vector<4x128xf32>
    %add3A_26 = arith.addf %mul3A_21, %add3A_25 : vector<4x128xf32>
    %get3A_27 = arith.constant 0 : index
    %get3A_28 = arith.constant 0 : index
    %get3A_29 = vector.load %arg3[%get3A_27, %get3A_28] : memref<128x128xf32, #tpu.memory_space<vmem>>, vector<128x128xf32>
    %dot_general3A = arith.constant dense<0.000000e+00> : vector<4x128xf32>
    %dot_general3A_30 = tpu.matmul %add3A_26, %get3A_29, %dot_general3A {dimension_numbers = #tpu.dot_dimension_numbers<[1], [1], [0], [0], [0, 0, 1, 0], [], []>, transpose_lhs_hint = false} : vector<4x128xf32>, vector<128x128xf32>, vector<4x128xf32> -> vector<4x128xf32>
    %broadcast_in_dim3A_31 = vector.shape_cast %dot_general3A_30 : vector<4x128xf32> to vector<1x4x128xf32>
    %broadcast_in_dim3A_32 = vector.shape_cast %broadcast_in_dim3A_31 : vector<1x4x128xf32> to vector<1x4x128xf32>
    %broadcast_in_dim3A_33 = vector.broadcast %broadcast_in_dim3A_32 : vector<1x4x128xf32> to vector<4096x4x128xf32>
    %swap3A = arith.constant 0 : index
    %swap3A_34 = arith.constant 0 : index
    %swap3A_35 = arith.constant 0 : index
    %swap3A_36 = vector.load %arg4[%swap3A, %swap3A_34, %swap3A_35] : memref<4096x4x128xf32, #tpu.memory_space<vmem>>, vector<4096x4x128xf32>
    tpu.vector_store %arg4[%swap3A, %swap3A_34, %swap3A_35], %broadcast_in_dim3A_33 {strides = array<i32>} : memref<4096x4x128xf32, #tpu.memory_space<vmem>>, vector<4096x4x128xf32>,
    return
  }
}

</mosaic_0001>

<sc_bundles>
// kernel: kernel.4.cloned.1.call-start
scs
__scs_entry_jumppad:
0x0: {  	(pc) =	sbr.rel $0x88, $3  }
0x1: {  	(tag) =	ssettag $0x0;
	lr =	simm.s32 $0x1  }
0x2: {  	[smem:$0x3F9C] =	sst lr;
	_ =	strace $0xD0000000  }
0x3: {  	_ = 	snop  }
0x4: {  	_ = 	snop  }
0x5: {  	_ = 	snop  }
0x6: {  	_ = 	snop  }
0x7: {  	_ = 	snop  }
__scs_overlays_trampoline_lowered:
0x8: {  	[smem:$0x3FAB] =	sst s0  }
0x9: {  	[smem:$0x3FAC] =	sst s1  }
0xa: {  	[smem:$0x3FAD] =	sst s2  }
0xb: {  	[smem:$0x3FAE] =	sst s3  }
0xc: {  	[smem:$0x3FAF] =	sst s4  }
0xd: {  	[smem:$0x3FB0] =	sst s5  }
0xe: {  	[smem:$0x3FB1] =	sst s6  }
0xf: {  	[smem:$0x3FB2] =	sst s7  }
0x10: {  	[smem:$0x3FB3] =	sst s8  }
0x11: {  	[smem:$0x3FB4] =	sst s9;
	s0 =	simm.s32 @!p0 $0x0  }
0x12: {  	s1 =	sld [smem:$0x3F9A];
	s0 =	simm.s32 @p0 $0x1  }
0x13: {  	[smem:$0x3FB5] =	sst s0;
	s0 =	simm.s32 @!p1 $0x0  }
0x14: {  	s2 =	sld [smem:$0x3F99];
	s0 =	simm.s32 @p1 $0x1  }
0x15: {  	[smem:$0x3FB6] =	sst s0;
	s0 =	simm.s32 @!p2 $0x0  }
0x16: {  	s3 =	sld [smem:$0x3FDB];
	s0 =	simm.s32 @p2 $0x1  }
0x17: {  	s4 =	simm.s32 $0x1BF5;
	[smem:$0x3FB8] =	sst s0  }
0x18: {  	s0 =	sld [smem:$0x3F9B];
	_ =	swait.ge [sflag:s4], $0x0  }
0x19: {  	s7 =	sld [smem:$0x3F9C]  }
0x1a: {  	s8 =	sadd.s32 $0xFFFFE003, lr  }
0x1b: {  	s9 =	sadd.s32 $0xFFFFFEF7, lr;
	s5 =	simm.s32 $0xFFFFFFFF;
	p2 =	slt.u32 s8, $0xFFFFF086  }
0x1c: {  	p1 =	slt.u32 s9, $0xF7A;
	s5 =	simm.s32 @!p2 $0x0  }
0x1d: {  	s5 =	simm.s32 @p1 $0x1;
	p0 =	seq.s32 s7, s2  }
0x1e: {  	s7 =	smul.u32 @!p0 $0xF7A, s2;
	p2 =	seq.s32 @!p0 s5, $0x0  }
0x1f: {  	s9 =	smul.u32 $0xF7A, s1;
	s8 =	simm.s32 @!p0 $0x1BF5;
	p2 =	por !p2, p0  }
0x20: {  	[sflag:s8] =	ssyncset.s32 @!p0 $0xFFFFF086;
	s6 =	sadd.s32 @!p0 s3, s7;
	s7 =	simm.s32 @!p0 $0x108  }
0x21: {  	s3 =	sadd.s32 s3, s9;
	s6 =	sadd.s32 @!p0 $0x88, s6;
	s7 =	simm.s32 @p2 $0x1082  }
0x22: {  	[simem:s7], [sflag:s8] =	dma.local @!p0 [hbm:s6], $0xF7A  }
0x23: {  	s9 =	sor.u32 $0xD0000000, s2;
	s6 =	simm.s32 $0x108;
	_ =	swait.ge @!p0 [sflag:s8], $0x0  }
0x24: {  	s3 =	sadd.s32 $0x88, s3;
	s6 =	simm.s32 @!p1 $0x1082;
	[sflag:s4] =	ssyncset.s32 $0xFFFFF086  }
0x25: {  	[simem:s6], [sflag:s4] =	dma.local [hbm:s3], $0xF7A  }
0x26: {  	[smem:$0x3F9C] =	sst s1;
	(tag) =	ssettag s2;
	_ =	strace s9  }
0x27: {  	s1 =	sld [smem:$0x3FAC]  }
0x28: {  	s2 =	sld [smem:$0x3FAD]  }
0x29: {  	s4 =	sld [smem:$0x3FAF]  }
0x2a: {  	p0 =	seq.s32 s5, $0x0;
	s5 =	sld [smem:$0x3FB0]  }
0x2b: {  	s6 =	sld [smem:$0x3FB1]  }
0x2c: {  	s7 =	sld [smem:$0x3FB2]  }
0x2d: {  	s3 =	simm.s32 $0x108;
	s8 =	sld [smem:$0x3FB3]  }
0x2e: {  	s3 =	simm.s32 @!p0 $0x1082;
	s9 =	sld [smem:$0x3FB4]  }
0x2f: {  	lr =	sadd.s32 s0, s3;
	s0 =	sld [smem:$0x3FAB]  }
0x30: {  	s3 =	sld [smem:$0x3FAE]  }
0x31: {  	[smem:$0x3FB7] =	sst s10  }
0x32: {  	s10 =	sld [smem:$0x3FB5];
	_ =	sdelay $0x3  }
0x33: {  	p0 =	seq.s32 s10, $0x1;
	s10 =	sld [smem:$0x3FB7];
	_ =	sdelay $0x3  }
0x34: {  	[smem:$0x3FB7] =	sst s10  }
0x35: {  	s10 =	sld [smem:$0x3FB6];
	_ =	sdelay $0x3  }
0x36: {  	p1 =	seq.s32 s10, $0x1;
	s10 =	sld [smem:$0x3FB7];
	_ =	sdelay $0x3  }
0x37: {  	[smem:$0x3FB7] =	sst s10  }
0x38: {  	s10 =	sld [smem:$0x3FB8]  }
0x39: {  	_ = 	snop;
	(pc) =	sbr.ind lr, $3  }
0x3a: {  	_ = 	snop  }
0x3b: {  	_ = 	snop  }
0x3c: {  	p2 =	seq.s32 s10, $0x1;
	s10 =	sld [smem:$0x3FB7]  }
0x3d: {  	_ =	shalt  }
0x3e: {  	_ =	shalt  }
0x3f: {  	_ =	shalt  }
0x40: {  	_ =	shalt  }
0x41: {  	_ =	shalt  }
0x42: {  	_ =	shalt  }
0x43: {  	_ =	shalt  }
0x44: {  	_ =	shalt  }
0x45: {  	_ =	shalt  }
0x46: {  	_ =	shalt  }
0x47: {  	_ =	shalt  }
0x48: {  	_ =	shalt  }
0x49: {  	_ =	shalt  }
0x4a: {  	_ =	shalt  }
0x4b: {  	_ =	shalt  }
0x4c: {  	_ =	shalt  }
0x4d: {  	_ =	shalt  }
0x4e: {  	_ =	shalt  }
0x4f: {  	_ =	shalt  }
0x50: {  	_ =	shalt  }
0x51: {  	_ =	shalt  }
0x52: {  	_ =	shalt  }
0x53: {  	_ =	shalt  }
0x54: {  	_ =	shalt  }
0x55: {  	_ =	shalt  }
0x56: {  	_ =	shalt  }
0x57: {  	_ =	shalt  }
0x58: {  	_ =	shalt  }
0x59: {  	_ =	shalt  }
0x5a: {  	_ =	shalt  }
0x5b: {  	_ =	shalt  }
0x5c: {  	_ =	shalt  }
0x5d: {  	_ =	shalt  }
0x5e: {  	_ =	shalt  }
0x5f: {  	_ =	shalt  }
0x60: {  	_ =	shalt  }
0x61: {  	_ =	shalt  }
0x62: {  	_ =	shalt  }
0x63: {  	_ =	shalt  }
0x64: {  	_ =	shalt  }
0x65: {  	_ =	shalt  }
0x66: {  	_ =	shalt  }
0x67: {  	_ =	shalt  }
0x68: {  	_ =	shalt  }
0x69: {  	_ =	shalt  }
0x6a: {  	_ =	shalt  }
0x6b: {  	_ =	shalt  }
0x6c: {  	_ =	shalt  }
0x6d: {  	_ =	shalt  }
0x6e: {  	_ =	shalt  }
0x6f: {  	_ =	shalt  }
0x70: {  	_ =	shalt  }
0x71: {  	_ =	shalt  }
0x72: {  	_ =	shalt  }
0x73: {  	_ =	shalt  }
0x74: {  	_ =	shalt  }
0x75: {  	_ =	shalt  }
0x76: {  	_ =	shalt  }
0x77: {  	_ =	shalt  }
0x78: {  	_ =	shalt  }
0x79: {  	_ =	shalt  }
0x7a: {  	_ =	shalt  }
0x7b: {  	_ =	shalt  }
0x7c: {  	_ =	shalt  }
0x7d: {  	_ =	shalt  }
0x7e: {  	_ =	shalt  }
0x7f: {  	_ =	shalt  }
0x80: {  	_ =	shalt  }
0x81: {  	_ =	shalt  }
0x82: {  	_ =	shalt  }
0x83: {  	_ =	shalt  }
0x84: {  	_ =	shalt  }
0x85: {  	_ =	shalt  }
0x86: {  	_ =	shalt  }
0x87: {  	_ =	shalt  }
.Lfunc_end0:
.L_simem_size_0:
called_computation_lowered:
.L_overlay_start_0:
0x88: {  	s2 =	sld [smem:$0x3FD9]  }
0x89: {  	s3 =	sld [smem:$0x3FFE];
	_ =	sdelay $0x1  }
0x8a: {  	s1 =	srdreg.scid  }
0x8b: {  	s0 =	sand.u32 $0x1, s1  }
0x8c: {  	s17 =	sshll.u32 s0, $0xA;
	s2 =	sadd.s32 s3, s2  }
0x8d: {  	s2 =	sadd.s32 s2, s17  }
0x8e: {  	[smem:$0x3FC3] =	sst s2  }
0x8f: {  	_ = 	snop  }
0x90: {  	s2 =	sld [smem:$0x3FD0];
	(tm) =	ssettm $0x1  }
0x91: {  	s18 =	sld [smem:$0x3FFB];
	_ =	sdelay $0x3  }
0x92: {  	_ =	strace s18  }
0x93: {  	s3 =	sld [smem:$0x3FFC];
	_ =	sdelay $0x3  }
0x94: {  	_ =	strace s3  }
0x95: {  	s3 =	sld [smem:$0x3FFD];
	_ =	sdelay $0x3  }
0x96: {  	_ =	strace s3  }
0x97: {  	_ =	strace $0x8FFFFFFF  }
0x98: {  	s19 =	sld [smem:$0x3FDB];
	_ =	sdelay $0x1  }
0x99: {  	s4 =	simm.s32 $_scs_section_size  }
0x9a: {  	s5 =	simm.s32 $_size__tile_overlayer_lowered;
	s6 =	simm.s32 $_tile_overlayer_lowered  }
0x9b: {  	s22 =	simm.s32 $0x1BFF;
	s21 =	sshll.u32 s6, $0x1;
	s3 =	sadd.s32 s4, s19  }
0x9c: {  	s7 =	simm.s32 $0x0;
	s20 =	sshll.u32 s5, $0x1;
	s5 =	sadd.s32 s21, s3  }
0x9d: {  	[timem:s7], [sflag:s22] =	dma.local [hbm:s5], s20  }
0x9e: {  	_ =	swait.ge [sflag:s22], s20  }
0x9f: {  	s4 =	ssub.s32 $0x0, s20;
	[sflag:s22] =	ssyncset.done $0x0  }
0xa0: {  	[sflag:s22] =	ssyncadd.s32 s4;
	_ =	sdelay $0x1  }
0xa1: {  	s23 =	simm.s32 $0x1B8B  }
0xa2: {  	_ =	swait.ge [sflag:s23], $0x1  }
0xa3: {  	[sflag:s23] =	ssyncset.done $0x0  }
0xa4: {  	s25 =	simm.s32 $0x1B8E;
	s24 =	sld [smem:$0x3FFE];
	[sflag:s23] =	ssyncadd.s32 $0xFFFFFFFF  }
0xa5: {  	s26 =	simm.s32 $execute0_lowered;
	[smem:$0x3FD2] =	sst s25  }
0xa6: {  	s5 =	sshll.u32 s26, $0x1;
	_ =	strace $0x80000046;
	[dreg:$0x1] =	wrdreg $0xFFFFFFFF  }
0xa7: {  	s28 =	simm.s32 $_size_execute0_lowered;
	s3 =	sadd.s32 s3, s5;
	[dreg:$0x0] =	wrdreg $0x0  }
0xa8: {  	s5 =	sshll.u32 s28, $0x1;
	[dreg:$0x2] =	wrdreg s3  }
0xa9: {  	[dreg:$0x3] =	wrdreg s5  }
0xaa: {  	[dreg:$0x4] =	wrdreg $0xC0  }
0xab: {  	_ =	task [dreg:s7], $0x5FFFF  }
0xac: {  	[dreg:$0x1] =	wrdreg $0xFFFFFFFF  }
0xad: {  	[dreg:$0x0] =	wrdreg $0x60  }
0xae: {  	[dreg:$0x2] =	wrdreg s24  }
0xaf: {  	[dreg:$0x3] =	wrdreg s2  }
0xb0: {  	[dreg:$0x4] =	wrdreg $0x9  }
0xb1: {  	_ =	task.clear_ibuf [dreg:s7], $0x5FFFF;
	_ =	strace $0x90000046  }
0xb2: {  	s29 =	simm.s32 $0x9;
	_ =	strace $0x80000048  }
0xb3: {  	_ =	swait.ge [sflag:s29], $0x1  }
0xb4: {  	[sflag:s29] =	ssyncadd.s32 $0xFFFFFFFF  }
0xb5: {  	_ =	strace $0x90000048  }
0xb6: {  	_ =	sfence  }
0xb7: {  	s30 =	sld [smem:$0x0];
	_ =	sdelay $0x2  }
0xb8: {  	s31 =	sshll.u32 s1, $0xD;
	s1 =	sshrl.u32 s1, $0x2  }
0xb9: {  	s3 =	sand.u32 $0x4000, s31;
	s1 =	sadd.s32 s1, s30  }
0xba: {  	s0 =	sor.u32 s3, s0;
	s1 =	sshll.u32 s1, $0x11  }
0xbb: {  	s0 =	sor.u32 s1, s0  }
0xbc: {  	s0 =	sadd.s32 $0x8F2B, s0  }
0xbd: {  	[sflag:s0] =	ssyncadd.remote.s32 $0x1  }
0xbe: {  	_ =	sfence.sel $0xFFFF  }
0xbf: {  	[dreg:$0x0] =	wrdreg $0xFFFFFFFF;
	(pc) =	sbr.abs _section_cstart, $3  }
0xc0: {  	[dreg:$0x1] =	wrdreg $0xFFFFFFFF  }
0xc1: {  	_ =	task.clear_ibuf [dreg:s7], $0x2FFFF;
	_ =	strace $0x9FFFFFFF  }
0xc2: {  	(tm) =	ssettm $0x7FFFFFFF  }
0xc3: {  	_ =	shalt  }
tec
execute0_lowered:
.L_overlay_start_1:
0x0: {  	(tag) =	ssettag $0x1  }
0x1: {  	s4 =	rddreg [dreg:$0x0]  }
0x2: {  	s9 =	rddreg [dreg:$0x1]  }
0x3: {  	s0 =	rddreg [dreg:$0x2];
	s2 =	simm.s32 $0x0  }
0x4: {  	s3 =	srdreg.scid;
	s1 =	stileid.u32;
	s15 =	simm.s32 $0x8000  }
0x5: {  	s16 =	simm.s32 $0x100;
	s17 =	simm.s32 $0xC000;
	s18 =	simm.s32 $0x180  }
0x6: {  	s19 =	simm.s32 $0x10000;
	s20 =	simm.s32 $0x1;
	s21 =	simm.s32 $0x2  }
0x7: {  	s22 =	simm.s32 $0x0;
	[smem:$0x7FF] =	sst s2;
	s10 =	sand.u32 $0x1, s3  }
0x8: {  	s5 =	sshll.u32 s1, $0x1;
	s3 =	sadd.s32 $0x10E00, s4;
	s11 =	sshll.u32 s1, $0xA  }
0x9: {  	s12 =	sshll.u32 s1, $0x13;
	_ =	strace $0x80000047;
	s5 =	sor.u32 s10, s5  }
0xa: {  	s6 =	ssub.s32 $0x2, s10;
	s13 =	sshll.u32 s10, $0x9;
	s12 =	sadd.s32 s12, s9  }
0xb: {  	s14 =	sshll.u32 s10, $0x12;
	s7 =	sshll.u32 s5, $0xB;
	s8 =	sshrl.u32 s6, $0x1  }
0xc: {  	s5 =	sshll.u32 s5, $0x12;
	s10 =	sor.u32 s13, s11;
	s31 =	sadd.s32 s14, s12  }
0xd: {  	s12 =	simm.s32 $0x3;
	s13 =	simm.s32 $0x80;
	s14 =	simm.s32 $0x4000  }
0xe: {  	s7 =	sadd.s32 s7, s4;
	s6 =	ssub.s32 s6, s8;
	s4 =	sadd.s32 s9, s5  }
0xf: {  	v0 =	vlaneseq.u32;
	s11 =	sadd.s32 $0x3800, s31;
	s5 =	sadd.s32 $0xE00, s7;
	s6 =	smax.u32 s6, $0x1  }
0x10: {  	v0 =	vmul.u32 $0x4, v0;
	s7 =	sadd.s32 $0x800, s4;
	s8 =	sadd.s32 $0x1000, s4;
	s9 =	sadd.s32 $0x1800, s4  }
.LBB2_1:
0x11: {  	[tilespmem:s2], [sflag:$0x3] =	stream.linear.gather [hbm4b:s5+s2], $0x4000, $0x38;
	[tilespmem:$0x14000] =	vst v63  }
0x12: {  	_ =	swait.ge [sflag:s12], $0x4000  }
0x13: {  	[sflag:s12] =	ssyncset.done $0x0  }
0x14: {  	s24 =	sand.u32 $0x3FF0, s2;
	[sflag:s12] =	ssyncadd.s32 $0xFFFFC000  }
0x15: {  	v1 =	vld [tilespmem:s24+$0x0];
	_ =	sdelay $0x3  }
0x16: {  	s23 =	sand.u32 $0x3FC0, s10  }
0x17: {  	v1 =	vadd.s32 s23, v1  }
0x18: {  	s31 =	simm.s32 $0x10;
	v1 =	vadd.s32 v0, v1  }
0x19: {  	s25 =	simm.s32 $0x20;
	s23 =	sand.u32 $0x3FF0, s31;
	[tilespmem:s24+$0x0] =	vst v1;
	s24 =	smov.u32 s10  }
.LBB2_2:
0x1a: {  	p0 =	sne.s32 s25, $0x3FF0;
	v1 =	vld [tilespmem:s23+$0x0];
	_ =	sdelay $0x2  }
.Ltmp0:
0x1b: {  	s24 =	sadd.s32 $0x40, s24;
	(pc) =	sbr.rel @p0 .LBB2_2-.Ltmp0, $4  }
0x1c: {  	s26 =	sand.u32 $0x3FC0, s24  }
0x1d: {  	v1 =	vadd.s32 s26, v1  }
0x1e: {  	v1 =	vadd.s32 v0, v1  }
0x1f: {  	[tilespmem:s23+$0x0] =	vst v1;
	s23 =	sand.u32 $0x3FF0, s25;
	s25 =	sadd.s32 $0x10, s25  }
0x20: {  	v1 =	vld [tilespmem:s23+$0x0];
	_ =	sdelay $0x2  }
0x21: {  	s24 =	sadd.s32 $0x40, s24  }
0x22: {  	s24 =	sand.u32 $0x3FC0, s24  }
0x23: {  	v1 =	vadd.s32 s24, v1  }
0x24: {  	v1 =	vadd.s32 v0, v1  }
0x25: {  	s31 =	simm.s32 $0x0;
	[tilespmem:s23+$0x0] =	vst v1  }
0x26: {  	[tilespmem:s14], [sflag:$0x1] =	stream.indirect.gather [hbm4b:s3+s13], $0x80, s31, s13, $0xb8;
	[tilespmem:$0x14000] =	vst v63  }
0x27: {  	_ = 	snop  }
0x28: {  	[tilespmem:s15], [sflag:$0x1] =	stream.indirect.gather [hbm4b:s3+s13], $0x80, s13, s13, $0xb8;
	[tilespmem:$0x14000] =	vst v63  }
0x29: {  	_ = 	snop  }
0x2a: {  	[tilespmem:s17], [sflag:$0x1] =	stream.indirect.gather [hbm4b:s3+s13], $0x80, s16, s13, $0xb8;
	[tilespmem:$0x14000] =	vst v63  }
0x2b: {  	_ = 	snop  }
0x2c: {  	[tilespmem:s19], [sflag:$0x1] =	stream.indirect.gather [hbm4b:s3+s13], $0x80, s18, s13, $0xb8;
	[tilespmem:$0x14000] =	vst v63  }
0x2d: {  	_ =	swait.ge [sflag:s20], $0x4000  }
0x2e: {  	[sflag:s20] =	ssyncset.done $0x0  }
0x2f: {  	[sflag:s20] =	ssyncadd.s32 $0xFFFFC000  }
0x30: {  	[hbm4b:s4+s31] =	stream.linear.scatter [tilespmem:s14], [sflag:$0x2], $0x4000, $0x38;
	[tilespmem:$0x14000] =	vst v63  }
0x31: {  	_ =	swait.ge [sflag:s20], $0x4000  }
0x32: {  	[sflag:s20] =	ssyncset.done $0x0  }
0x33: {  	[sflag:s20] =	ssyncadd.s32 $0xFFFFC000  }
0x34: {  	[hbm4b:s7+s31] =	stream.linear.scatter [tilespmem:s15], [sflag:$0x2], $0x4000, $0x38;
	[tilespmem:$0x14000] =	vst v63  }
0x35: {  	_ =	swait.ge [sflag:s20], $0x4000  }
0x36: {  	[sflag:s20] =	ssyncset.done $0x0  }
0x37: {  	[sflag:s20] =	ssyncadd.s32 $0xFFFFC000  }
0x38: {  	[hbm4b:s8+s31] =	stream.linear.scatter [tilespmem:s17], [sflag:$0x2], $0x4000, $0x38;
	[tilespmem:$0x14000] =	vst v63  }
0x39: {  	_ =	swait.ge [sflag:s20], $0x4000  }
0x3a: {  	[sflag:s20] =	ssyncset.done $0x0  }
0x3b: {  	[sflag:s20] =	ssyncadd.s32 $0xFFFFC000  }
0x3c: {  	[hbm4b:s9+s31] =	stream.linear.scatter [tilespmem:s19], [sflag:$0x2], $0x4000, $0x38;
	[tilespmem:$0x14000] =	vst v63  }
0x3d: {  	_ =	swait.ge [sflag:s21], $0x4000  }
0x3e: {  	[sflag:s21] =	ssyncset.done $0x0  }
0x3f: {  	[sflag:s21] =	ssyncadd.s32 $0xFFFFC000  }
0x40: {  	_ =	swait.ge [sflag:s21], $0x4000  }
0x41: {  	[sflag:s21] =	ssyncset.done $0x0  }
0x42: {  	[sflag:s21] =	ssyncadd.s32 $0xFFFFC000  }
0x43: {  	_ =	swait.ge [sflag:s21], $0x4000  }
0x44: {  	[sflag:s21] =	ssyncset.done $0x0  }
0x45: {  	[sflag:s21] =	ssyncadd.s32 $0xFFFFC000  }
0x46: {  	_ =	swait.ge [sflag:s21], $0x4000  }
0x47: {  	[sflag:s21] =	ssyncset.done $0x0  }
0x48: {  	s24 =	simm.s32 $0x200;
	[sflag:s21] =	ssyncadd.s32 $0xFFFFC000  }
0x49: {  	[tilespmem:s14], [sflag:$0x1] =	stream.indirect.gather [hbm4b:s3+s13], $0x80, s24, s13, $0xb8;
	[tilespmem:$0x14000] =	vst v63  }
0x4a: {  	s25 =	simm.s32 $0x280  }
0x4b: {  	[tilespmem:s15], [sflag:$0x1] =	stream.indirect.gather [hbm4b:s3+s13], $0x80, s25, s13, $0xb8;
	[tilespmem:$0x14000] =	vst v63  }
0x4c: {  	s26 =	simm.s32 $0x300  }
0x4d: {  	[tilespmem:s17], [sflag:$0x1] =	stream.indirect.gather [hbm4b:s3+s13], $0x80, s26, s13, $0xb8;
	[tilespmem:$0x14000] =	vst v63  }
0x4e: {  	s28 =	simm.s32 $0x380  }
0x4f: {  	[tilespmem:s19], [sflag:$0x1] =	stream.indirect.gather [hbm4b:s3+s13], $0x80, s28, s13, $0xb8;
	[tilespmem:$0x14000] =	vst v63  }
0x50: {  	_ =	swait.ge [sflag:s20], $0x4000  }
0x51: {  	[sflag:s20] =	ssyncset.done $0x0  }
0x52: {  	s29 =	sadd.s32 $0xFFFFE800, s11;
	[sflag:s20] =	ssyncadd.s32 $0xFFFFC000  }
0x53: {  	[hbm4b:s29+s2] =	stream.linear.scatter [tilespmem:s14], [sflag:$0x2], $0x4000, $0x38;
	[tilespmem:$0x14000] =	vst v63  }
0x54: {  	_ =	swait.ge [sflag:s20], $0x4000  }
0x55: {  	[sflag:s20] =	ssyncset.done $0x0  }
0x56: {  	s30 =	sadd.s32 $0xFFFFF000, s11;
	[sflag:s20] =	ssyncadd.s32 $0xFFFFC000  }
0x57: {  	[hbm4b:s30+s2] =	stream.linear.scatter [tilespmem:s15], [sflag:$0x2], $0x4000, $0x38;
	[tilespmem:$0x14000] =	vst v63  }
0x58: {  	_ =	swait.ge [sflag:s20], $0x4000  }
0x59: {  	[sflag:s20] =	ssyncset.done $0x0  }
0x5a: {  	s31 =	sadd.s32 $0xFFFFF800, s11;
	[sflag:s20] =	ssyncadd.s32 $0xFFFFC000  }
0x5b: {  	[hbm4b:s31+s2] =	stream.linear.scatter [tilespmem:s17], [sflag:$0x2], $0x4000, $0x38;
	[tilespmem:$0x14000] =	vst v63  }
0x5c: {  	_ =	swait.ge [sflag:s20], $0x4000  }
0x5d: {  	s23 =	simm.s32 $0x800;
	[sflag:s20] =	ssyncset.done $0x0  }
0x5e: {  	s24 =	sadd.s32 $0x2000, s11;
	s25 =	smov.u32 s11;
	[sflag:s20] =	ssyncadd.s32 $0xFFFFC000  }
.LBB2_4:
0x5f: {  	[hbm4b:s25+s2] =	stream.linear.scatter [tilespmem:s19], [sflag:$0x2], $0x4000, $0x38;
	[tilespmem:$0x14000] =	vst v63  }
0x60: {  	s26 =	smov.u32 s23;
	s25 =	smov.u32 s24  }
0x61: {  	p0 =	sne.s32 s23, $0xF000;
	s23 =	sadd.s32 $0x800, s23;
	_ =	swait.ge [sflag:s21], $0x4000  }
0x62: {  	[sflag:s21] =	ssyncset.done $0x0  }
0x63: {  	[sflag:s21] =	ssyncadd.s32 $0xFFFFC000  }
0x64: {  	_ =	swait.ge [sflag:s21], $0x4000  }
0x65: {  	[sflag:s21] =	ssyncset.done $0x0  }
0x66: {  	[sflag:s21] =	ssyncadd.s32 $0xFFFFC000  }
0x67: {  	_ =	swait.ge [sflag:s21], $0x4000  }
0x68: {  	[sflag:s21] =	ssyncset.done $0x0  }
0x69: {  	[sflag:s21] =	ssyncadd.s32 $0xFFFFC000  }
0x6a: {  	_ =	swait.ge [sflag:s21], $0x4000  }
0x6b: {  	s26 =	sshra.s32 s26, $0x2;
	[sflag:s21] =	ssyncset.done $0x0  }
0x6c: {  	s28 =	sadd.s32 $0x200, s26;
	[sflag:s21] =	ssyncadd.s32 $0xFFFFC000  }
0x6d: {  	[tilespmem:s14], [sflag:$0x1] =	stream.indirect.gather [hbm4b:s3+s13], $0x80, s28, s13, $0xb8;
	[tilespmem:$0x14000] =	vst v63  }
0x6e: {  	s28 =	sadd.s32 $0x280, s26  }
0x6f: {  	[tilespmem:s15], [sflag:$0x1] =	stream.indirect.gather [hbm4b:s3+s13], $0x80, s28, s13, $0xb8;
	[tilespmem:$0x14000] =	vst v63  }
0x70: {  	s28 =	sadd.s32 $0x300, s26  }
0x71: {  	[tilespmem:s17], [sflag:$0x1] =	stream.indirect.gather [hbm4b:s3+s13], $0x80, s28, s13, $0xb8;
	[tilespmem:$0x14000] =	vst v63  }
0x72: {  	s26 =	sadd.s32 $0x380, s26  }
0x73: {  	[tilespmem:s19], [sflag:$0x1] =	stream.indirect.gather [hbm4b:s3+s13], $0x80, s26, s13, $0xb8;
	[tilespmem:$0x14000] =	vst v63  }
0x74: {  	_ =	swait.ge [sflag:s20], $0x4000  }
0x75: {  	[sflag:s20] =	ssyncset.done $0x0  }
0x76: {  	s26 =	sadd.s32 $0xFFFFE800, s24;
	[sflag:s20] =	ssyncadd.s32 $0xFFFFC000  }
0x77: {  	[hbm4b:s26+s2] =	stream.linear.scatter [tilespmem:s14], [sflag:$0x2], $0x4000, $0x38;
	[tilespmem:$0x14000] =	vst v63  }
0x78: {  	_ =	swait.ge [sflag:s20], $0x4000  }
0x79: {  	[sflag:s20] =	ssyncset.done $0x0  }
0x7a: {  	s26 =	sadd.s32 $0xFFFFF000, s24;
	[sflag:s20] =	ssyncadd.s32 $0xFFFFC000  }
0x7b: {  	[hbm4b:s26+s2] =	stream.linear.scatter [tilespmem:s15], [sflag:$0x2], $0x4000, $0x38;
	[tilespmem:$0x14000] =	vst v63  }
0x7c: {  	_ =	swait.ge [sflag:s20], $0x4000  }
0x7d: {  	[sflag:s20] =	ssyncset.done $0x0  }
.Ltmp1:
0x7e: {  	s26 =	sadd.s32 $0xFFFFF800, s24;
	[sflag:s20] =	ssyncadd.s32 $0xFFFFC000;
	(pc) =	sbr.rel @p0 .LBB2_4-.Ltmp1, $4  }
0x7f: {  	[hbm4b:s26+s2] =	stream.linear.scatter [tilespmem:s17], [sflag:$0x2], $0x4000, $0x38;
	[tilespmem:$0x14000] =	vst v63  }
0x80: {  	_ =	swait.ge [sflag:s20], $0x4000  }
0x81: {  	[sflag:s20] =	ssyncset.done $0x0  }
0x82: {  	s24 =	sadd.s32 $0x2000, s24;
	[sflag:s20] =	ssyncadd.s32 $0xFFFFC000  }
0x83: {  	[hbm4b:s25+s2] =	stream.linear.scatter [tilespmem:s19], [sflag:$0x2], $0x4000, $0x38;
	[tilespmem:$0x14000] =	vst v63  }
0x84: {  	_ =	swait.ge [sflag:s21], $0x4000  }
0x85: {  	[sflag:s21] =	ssyncset.done $0x0  }
0x86: {  	[sflag:s21] =	ssyncadd.s32 $0xFFFFC000  }
0x87: {  	_ =	swait.ge [sflag:s21], $0x4000  }
0x88: {  	[sflag:s21] =	ssyncset.done $0x0  }
0x89: {  	s22 =	sadd.s32 $0x1, s22;
	[sflag:s21] =	ssyncadd.s32 $0xFFFFC000  }
0x8a: {  	p0 =	sne.s32 s22, s6;
	_ =	swait.ge [sflag:s21], $0x4000  }
.Ltmp2:
0x8b: {  	[sflag:s21] =	ssyncset.done $0x0;
	(pc) =	sbr.rel @p0 .LBB2_1-.Ltmp2, $4  }
0x8c: {  	[sflag:s21] =	ssyncadd.s32 $0xFFFFC000  }
0x8d: {  	_ =	swait.ge [sflag:s21], $0x4000  }
0x8e: {  	[sflag:s21] =	ssyncset.done $0x0  }
0x8f: {  	[sflag:s21] =	ssyncadd.s32 $0xFFFFC000  }
0x90: {  	_ =	sfence.sel $0x180000  }
0x91: {  	[bflag:$0x0] =	sbarrier.arrive $0xFFFF  }
0x92: {  	p0 =	sne.s32 s1, $0x0;
	_ =	strace $0x90000047  }
0x93: {  	s0 =	sadd.s32 @!p0 $0x100000, s0;
	[bflag:$0x2] =	sbarrier.arrive $0xFFFF  }
0x94: {  	[sflag:s0] =	ssyncadd.tile.s32 @!p0 $0x1;
	_ =	shalt  }
.Lfunc_end2:
_tile_overlayer_lowered:
.L_overlay_start_2:
0x95: {  	(tag) =	ssettag $0x2  }
0x96: {  	s0 =	rddreg [dreg:$0x0];
	s2 =	stileid.u32  }
0x97: {  	s1 =	rddreg [dreg:$0x1];
	p0 =	sne.s32 s2, $0x0  }
0x98: {  	s3 =	rddreg [dreg:$0x2];
	[bflag:$0x3] =	sbarrier.arrive $0xFFFF;
	s2 =	simm.s32 @!p0 $0x1C03  }
0x99: {  	[timem:s3], [sflag:s2] =	dma.local @!p0 [hbm:s0], s1  }
0x9a: {  	s0 =	simm.s32 @!p0 $0x3  }
0x9b: {  	_ =	swait.ge @!p0 [sflag:s0], s1  }
0x9c: {  	s1 =	ssub.s32 @!p0 $0x0, s1;
	[sflag:s0] =	ssyncset.done @!p0 $0x0  }
0x9d: {  	[sflag:s0] =	ssyncadd.s32 @!p0 s1  }
0x9e: {  	[bflag:$0x3] =	sbarrier.arrive $0xFFFF  }
0x9f: {  	_ =	shalt  }

</sc_bundles>
